<compile_context>
chip_gen: v7x
topology: tpu7x:2x2x1
jax: 0.10.2.dev20260603
libtpu: 0.0.44.dev20260713+nightly
codegen_flags: <defaults>
</compile_context>

<pallas_src>
import functools

import jax
import jax.numpy as jnp
from jax import lax
from jax.experimental import pallas as pl
from jax.experimental.pallas import tpu as pltpu
from jax.experimental.pallas import tpu_sc as plsc

B = 16384
S = 50
DIM = 32

NUM_TABLE_ROWS = 1000000

_NC = 2
_NS = 16
_NW = _NC * _NS
_CB = B // _NW
_OUT_ELEMS = S * DIM * B


def _make_gather():
    mesh = plsc.VectorSubcoreMesh(core_axis_name="c", subcore_axis_name="s")

    @functools.partial(
        pl.kernel,
        mesh=mesh,
        out_type=jax.ShapeDtypeStruct((_OUT_ELEMS,), jnp.float32),
        compiler_params=pltpu.CompilerParams(use_tc_tiling_on_sc=False,
                                             needs_layout_passes=False),
        scratch_types=[
            pltpu.VMEM((_CB,), jnp.int32),
            pltpu.VMEM((_CB,), jnp.int32),
            pltpu.VMEM((_CB, DIM), jnp.float32),
            pltpu.VMEM((_CB, DIM), jnp.float32),
            pltpu.VMEM((_CB * DIM,), jnp.float32),
            pltpu.VMEM((_CB * DIM,), jnp.float32),
            pltpu.SemaphoreType.DMA,
            pltpu.SemaphoreType.DMA,
            pltpu.SemaphoreType.DMA,
            pltpu.SemaphoreType.DMA,
            pltpu.SemaphoreType.DMA,
            pltpu.SemaphoreType.DMA,
        ],
    )
    def gather_kernel(idx_hbm, tbl_hbm, out_hbm,
                      idx0, idx1, rows0, rows1, t0, t1, g0, g1, o0, o1,
                      i0, i1):
        wid = lax.axis_index("s") * _NC + lax.axis_index("c")
        b0 = wid * _CB
        idx_v = (idx0, idx1)
        rows_v = (rows0, rows1)
        t_v = (t0, t1)
        gsem = (g0, g1)
        osem = (o0, o1)
        isem = (i0, i1)

        iota = lax.iota(jnp.int32, 16)
        pats = []
        for j in range(16):
            dv = (j + iota) & 15
            dstp = ((dv >> 3) << 12) + ((dv & 7) << 7) + iota
            pats.append((dv, dstp))

        def transpose_block(rows, t):
            def q_body(q):
                def i_body(i):
                    l0 = q * 128 + i * 16
                    db0 = (q << 10) + i * 16
                    lvec = l0 + iota
                    for d0 in (0, 16):
                        sc = db0 if d0 == 0 else db0 + 8192
                        for jh in (0, 8):
                            vs = []
                            for j in range(jh, jh + 8):
                                dv, _ = pats[j]
                                dvec = dv if d0 == 0 else dv + 16
                                vs.append(plsc.load_gather(rows,
                                                           [lvec, dvec]))
                            for k, j in enumerate(range(jh, jh + 8)):
                                _, dstp = pats[j]
                                plsc.store_scatter(t, [dstp + sc], vs[k])
                pl.loop(0, 8)(i_body)
            pl.loop(0, 4)(q_body)

        def launch_idx(s, bi):
            pltpu.async_copy(idx_hbm.at[pl.ds(s * B + b0, _CB)], idx_v[bi],
                             isem[bi])

        def wait_idx(s, bi):
            pltpu.make_async_copy(idx_hbm.at[pl.ds(s * B + b0, _CB)],
                                  idx_v[bi], isem[bi]).wait()

        def launch_gather(bi):
            pltpu.async_copy(tbl_hbm.at[idx_v[bi]], rows_v[bi], gsem[bi])

        def wait_gather(bi):
            pltpu.make_async_copy(tbl_hbm.at[idx_v[bi]], rows_v[bi],
                                  gsem[bi]).wait()

        def launch_stores(s, bi):
            base = s * 512 + wid * 4
            return [
                pltpu.async_copy(
                    t_v[bi].at[pl.ds(d8 * 4096, 4096)],
                    out_hbm.at[pl.ds((base + d8 * 128) * 1024, 4096)],
                    osem[bi])
                for d8 in range(4)
            ]

        def wait_stores(s, bi):
            base = s * 512 + wid * 4
            for d8 in range(4):
                pltpu.make_async_copy(
                    t_v[bi].at[pl.ds(d8 * 4096, 4096)],
                    out_hbm.at[pl.ds((base + d8 * 128) * 1024, 4096)],
                    osem[bi]).wait()

        launch_idx(0, 0)
        wait_idx(0, 0)
        launch_gather(0)
        launch_idx(1, 1)

        def body(s2):
            for off in range(2):
                s = s2 + off
                bi = off
                wait_gather(bi)
                if off == 0:
                    @pl.when(s2 < S - 2)
                    def _():
                        launch_idx(s + 2, bi)
                else:
                    @pl.when(s2 < S - 3)
                    def _():
                        launch_idx(s + 2, bi)
                if off == 0:
                    def _go():
                        wait_idx(s + 1, 1 - bi)
                        launch_gather(1 - bi)
                    _go()
                else:
                    @pl.when(s2 < S - 2)
                    def _():
                        wait_idx(s + 1, 1 - bi)
                        launch_gather(1 - bi)
                if off == 0:
                    @pl.when(s2 >= 2)
                    def _():
                        wait_stores(s - 2, bi)
                else:
                    @pl.when(s2 >= 1)
                    def _():
                        wait_stores(s - 2, bi)
                transpose_block(rows_v[bi], t_v[bi])
                launch_stores(s, bi)
        pl.loop(0, S, step=2)(body)

        wait_stores(S - 2, 0)
        wait_stores(S - 1, 1)

    return gather_kernel


_gather = _make_gather()


@jax.jit
def kernel(x, weight):
    xt = jnp.swapaxes(x, 0, 1).reshape(-1).astype(jnp.int32)
    flat = _gather(xt, weight)
    out5 = flat.reshape(S, 4, B // 128, 8, 128)
    return out5.transpose(2, 4, 0, 1, 3).reshape(B, S, DIM)

# --- scband reference (transcript-rebuilt; emitter-appended) ---
"""Pipeline reference for scband-embedding-46883863003340 (READ-ONLY COPY).

The authoritative reference and input builder live on the scoring server;
editing this copy changes nothing except your own understanding.
"""

import jax, jax.numpy as jnp
import numpy as np

NUM_EMBEDDINGS = 1000000
EMBEDDING_DIM = 32

def setup_inputs(seed: int = 0) -> dict:
    key = jax.random.key(seed)
    k1, k2 = jax.random.split(key)
    x = jax.random.randint(k1, (16384, 50), 0, NUM_EMBEDDINGS, dtype=jnp.int64 if jax.config.jax_enable_x64 else jnp.int32)
    weight = jax.random.normal(k2, (NUM_EMBEDDINGS, EMBEDDING_DIM), dtype=jnp.float32)
    return {"x": x, "weight": weight}

def reference(x, weight):
    # Faithful translation of torch: self.weight[x]
    return jnp.take(weight, x, axis=0)

if __name__ == "__main__":
    import jax
    _d = setup_inputs()
    print(jax.jit(kernel)(*tuple(_d.values())))

</pallas_src>

<mosaic_0001>
#map = affine_map<(d0, d1) -> (0)>
#map1 = affine_map<(d0, d1) -> (0, 0)>
module attributes {stable_mosaic.version = 14 : i64} {
  func.func @gather_kernel(%arg0: i32, %arg1: i32, %arg2: memref<819200xi32, #tpu.memory_space<hbm>>, %arg3: memref<1000000x32xf32, #tpu.memory_space<hbm>>, %arg4: memref<26214400xf32, #tpu.memory_space<hbm>>, %arg5: memref<512xi32, #tpu.memory_space<vmem>>, %arg6: memref<512xi32, #tpu.memory_space<vmem>>, %arg7: memref<512x32xf32, #tpu.memory_space<vmem>>, %arg8: memref<512x32xf32, #tpu.memory_space<vmem>>, %arg9: memref<16384xf32, #tpu.memory_space<vmem>>, %arg10: memref<16384xf32, #tpu.memory_space<vmem>>, %arg11: memref<!tpu.dma_semaphore, #tpu.memory_space<semaphore_mem>>, %arg12: memref<!tpu.dma_semaphore, #tpu.memory_space<semaphore_mem>>, %arg13: memref<!tpu.dma_semaphore, #tpu.memory_space<semaphore_mem>>, %arg14: memref<!tpu.dma_semaphore, #tpu.memory_space<semaphore_mem>>, %arg15: memref<!tpu.dma_semaphore, #tpu.memory_space<semaphore_mem>>, %arg16: memref<!tpu.dma_semaphore, #tpu.memory_space<semaphore_mem>>) attributes {dimension_semantics = [#tpu.dimension_semantics<core_parallel>, #tpu.dimension_semantics<subcore_parallel>], iteration_bounds = array<i64: 2, 16>, scalar_prefetch = 0 : i64, scratch_operands = 12 : i64, tpu.core_type = #tpu.core_type<sc_vector_subcore>, window_params = [{transform_indices = #map}, {transform_indices = #map1}, {transform_indices = #map}]} {
    %mul3A = arith.constant 2 : i32
    %mul3A_0 = arith.muli %arg1, %mul3A : i32
    %add3A = arith.addi %mul3A_0, %arg0 : i32
    %mul3A_1 = arith.constant 512 : i32
    %mul3A_2 = arith.muli %add3A, %mul3A_1 : i32
    %iota3A = tpu.iota {dimensions = array<i32: 0>} : vector<16xi32>
    %add3A_3 = arith.constant 0 : i32
    %add3A_4 = vector.broadcast %add3A_3 : i32 to vector<16xi32>
    %add3A_5 = arith.addi %add3A_4, %iota3A : vector<16xi32>
    %and3A = arith.constant 15 : i32
    %and3A_6 = vector.broadcast %and3A : i32 to vector<16xi32>
    %and3A_7 = arith.andi %add3A_5, %and3A_6 : vector<16xi32>
    %shift_right_arithmetic3A = arith.constant 3 : i32
    %shift_right_arithmetic3A_8 = vector.broadcast %shift_right_arithmetic3A : i32 to vector<16xi32>
    %shift_right_arithmetic3A_9 = arith.shrsi %and3A_7, %shift_right_arithmetic3A_8 : vector<16xi32>
    %shift_left3A = arith.constant 12 : i32
    %shift_left3A_10 = vector.broadcast %shift_left3A : i32 to vector<16xi32>
    %shift_left3A_11 = arith.shli %shift_right_arithmetic3A_9, %shift_left3A_10 : vector<16xi32>
    %and3A_12 = arith.constant 7 : i32
    %and3A_13 = vector.broadcast %and3A_12 : i32 to vector<16xi32>
    %and3A_14 = arith.andi %and3A_7, %and3A_13 : vector<16xi32>
    %shift_left3A_15 = arith.constant 7 : i32
    %shift_left3A_16 = vector.broadcast %shift_left3A_15 : i32 to vector<16xi32>
    %shift_left3A_17 = arith.shli %and3A_14, %shift_left3A_16 : vector<16xi32>
    %add3A_18 = arith.addi %shift_left3A_11, %shift_left3A_17 : vector<16xi32>
    %add3A_19 = arith.addi %add3A_18, %iota3A : vector<16xi32>
    %add3A_20 = arith.constant 1 : i32
    %add3A_21 = vector.broadcast %add3A_20 : i32 to vector<16xi32>
    %add3A_22 = arith.addi %add3A_21, %iota3A : vector<16xi32>
    %and3A_23 = arith.constant 15 : i32
    %and3A_24 = vector.broadcast %and3A_23 : i32 to vector<16xi32>
    %and3A_25 = arith.andi %add3A_22, %and3A_24 : vector<16xi32>
    %shift_right_arithmetic3A_26 = arith.constant 3 : i32
    %shift_right_arithmetic3A_27 = vector.broadcast %shift_right_arithmetic3A_26 : i32 to vector<16xi32>
    %shift_right_arithmetic3A_28 = arith.shrsi %and3A_25, %shift_right_arithmetic3A_27 : vector<16xi32>
    %shift_left3A_29 = arith.constant 12 : i32
    %shift_left3A_30 = vector.broadcast %shift_left3A_29 : i32 to vector<16xi32>
    %shift_left3A_31 = arith.shli %shift_right_arithmetic3A_28, %shift_left3A_30 : vector<16xi32>
    %and3A_32 = arith.constant 7 : i32
    %and3A_33 = vector.broadcast %and3A_32 : i32 to vector<16xi32>
    %and3A_34 = arith.andi %and3A_25, %and3A_33 : vector<16xi32>
    %shift_left3A_35 = arith.constant 7 : i32
    %shift_left3A_36 = vector.broadcast %shift_left3A_35 : i32 to vector<16xi32>
    %shift_left3A_37 = arith.shli %and3A_34, %shift_left3A_36 : vector<16xi32>
    %add3A_38 = arith.addi %shift_left3A_31, %shift_left3A_37 : vector<16xi32>
    %add3A_39 = arith.addi %add3A_38, %iota3A : vector<16xi32>
    %add3A_40 = arith.constant 2 : i32
    %add3A_41 = vector.broadcast %add3A_40 : i32 to vector<16xi32>
    %add3A_42 = arith.addi %add3A_41, %iota3A : vector<16xi32>
    %and3A_43 = arith.constant 15 : i32
    %and3A_44 = vector.broadcast %and3A_43 : i32 to vector<16xi32>
    %and3A_45 = arith.andi %add3A_42, %and3A_44 : vector<16xi32>
    %shift_right_arithmetic3A_46 = arith.constant 3 : i32
    %shift_right_arithmetic3A_47 = vector.broadcast %shift_right_arithmetic3A_46 : i32 to vector<16xi32>
    %shift_right_arithmetic3A_48 = arith.shrsi %and3A_45, %shift_right_arithmetic3A_47 : vector<16xi32>
    %shift_left3A_49 = arith.constant 12 : i32
    %shift_left3A_50 = vector.broadcast %shift_left3A_49 : i32 to vector<16xi32>
    %shift_left3A_51 = arith.shli %shift_right_arithmetic3A_48, %shift_left3A_50 : vector<16xi32>
    %and3A_52 = arith.constant 7 : i32
    %and3A_53 = vector.broadcast %and3A_52 : i32 to vector<16xi32>
    %and3A_54 = arith.andi %and3A_45, %and3A_53 : vector<16xi32>
    %shift_left3A_55 = arith.constant 7 : i32
    %shift_left3A_56 = vector.broadcast %shift_left3A_55 : i32 to vector<16xi32>
    %shift_left3A_57 = arith.shli %and3A_54, %shift_left3A_56 : vector<16xi32>
    %add3A_58 = arith.addi %shift_left3A_51, %shift_left3A_57 : vector<16xi32>
    %add3A_59 = arith.addi %add3A_58, %iota3A : vector<16xi32>
    %add3A_60 = arith.constant 3 : i32
    %add3A_61 = vector.broadcast %add3A_60 : i32 to vector<16xi32>
    %add3A_62 = arith.addi %add3A_61, %iota3A : vector<16xi32>
    %and3A_63 = arith.constant 15 : i32
    %and3A_64 = vector.broadcast %and3A_63 : i32 to vector<16xi32>
    %and3A_65 = arith.andi %add3A_62, %and3A_64 : vector<16xi32>
    %shift_right_arithmetic3A_66 = arith.constant 3 : i32
    %shift_right_arithmetic3A_67 = vector.broadcast %shift_right_arithmetic3A_66 : i32 to vector<16xi32>
    %shift_right_arithmetic3A_68 = arith.shrsi %and3A_65, %shift_right_arithmetic3A_67 : vector<16xi32>
    %shift_left3A_69 = arith.constant 12 : i32
    %shift_left3A_70 = vector.broadcast %shift_left3A_69 : i32 to vector<16xi32>
    %shift_left3A_71 = arith.shli %shift_right_arithmetic3A_68, %shift_left3A_70 : vector<16xi32>
    %and3A_72 = arith.constant 7 : i32
    %and3A_73 = vector.broadcast %and3A_72 : i32 to vector<16xi32>
    %and3A_74 = arith.andi %and3A_65, %and3A_73 : vector<16xi32>
    %shift_left3A_75 = arith.constant 7 : i32
    %shift_left3A_76 = vector.broadcast %shift_left3A_75 : i32 to vector<16xi32>
    %shift_left3A_77 = arith.shli %and3A_74, %shift_left3A_76 : vector<16xi32>
    %add3A_78 = arith.addi %shift_left3A_71, %shift_left3A_77 : vector<16xi32>
    %add3A_79 = arith.addi %add3A_78, %iota3A : vector<16xi32>
    %add3A_80 = arith.constant 4 : i32
    %add3A_81 = vector.broadcast %add3A_80 : i32 to vector<16xi32>
    %add3A_82 = arith.addi %add3A_81, %iota3A : vector<16xi32>
    %and3A_83 = arith.constant 15 : i32
    %and3A_84 = vector.broadcast %and3A_83 : i32 to vector<16xi32>
    %and3A_85 = arith.andi %add3A_82, %and3A_84 : vector<16xi32>
    %shift_right_arithmetic3A_86 = arith.constant 3 : i32
    %shift_right_arithmetic3A_87 = vector.broadcast %shift_right_arithmetic3A_86 : i32 to vector<16xi32>
    %shift_right_arithmetic3A_88 = arith.shrsi %and3A_85, %shift_right_arithmetic3A_87 : vector<16xi32>
    %shift_left3A_89 = arith.constant 12 : i32
    %shift_left3A_90 = vector.broadcast %shift_left3A_89 : i32 to vector<16xi32>
    %shift_left3A_91 = arith.shli %shift_right_arithmetic3A_88, %shift_left3A_90 : vector<16xi32>
    %and3A_92 = arith.constant 7 : i32
    %and3A_93 = vector.broadcast %and3A_92 : i32 to vector<16xi32>
    %and3A_94 = arith.andi %and3A_85, %and3A_93 : vector<16xi32>
    %shift_left3A_95 = arith.constant 7 : i32
    %shift_left3A_96 = vector.broadcast %shift_left3A_95 : i32 to vector<16xi32>
    %shift_left3A_97 = arith.shli %and3A_94, %shift_left3A_96 : vector<16xi32>
    %add3A_98 = arith.addi %shift_left3A_91, %shift_left3A_97 : vector<16xi32>
    %add3A_99 = arith.addi %add3A_98, %iota3A : vector<16xi32>
    %add3A_100 = arith.constant 5 : i32
    %add3A_101 = vector.broadcast %add3A_100 : i32 to vector<16xi32>
    %add3A_102 = arith.addi %add3A_101, %iota3A : vector<16xi32>
    %and3A_103 = arith.constant 15 : i32
    %and3A_104 = vector.broadcast %and3A_103 : i32 to vector<16xi32>
    %and3A_105 = arith.andi %add3A_102, %and3A_104 : vector<16xi32>
    %shift_right_arithmetic3A_106 = arith.constant 3 : i32
    %shift_right_arithmetic3A_107 = vector.broadcast %shift_right_arithmetic3A_106 : i32 to vector<16xi32>
    %shift_right_arithmetic3A_108 = arith.shrsi %and3A_105, %shift_right_arithmetic3A_107 : vector<16xi32>
    %shift_left3A_109 = arith.constant 12 : i32
    %shift_left3A_110 = vector.broadcast %shift_left3A_109 : i32 to vector<16xi32>
    %shift_left3A_111 = arith.shli %shift_right_arithmetic3A_108, %shift_left3A_110 : vector<16xi32>
    %and3A_112 = arith.constant 7 : i32
    %and3A_113 = vector.broadcast %and3A_112 : i32 to vector<16xi32>
    %and3A_114 = arith.andi %and3A_105, %and3A_113 : vector<16xi32>
    %shift_left3A_115 = arith.constant 7 : i32
    %shift_left3A_116 = vector.broadcast %shift_left3A_115 : i32 to vector<16xi32>
    %shift_left3A_117 = arith.shli %and3A_114, %shift_left3A_116 : vector<16xi32>
    %add3A_118 = arith.addi %shift_left3A_111, %shift_left3A_117 : vector<16xi32>
    %add3A_119 = arith.addi %add3A_118, %iota3A : vector<16xi32>
    %add3A_120 = arith.constant 6 : i32
    %add3A_121 = vector.broadcast %add3A_120 : i32 to vector<16xi32>
    %add3A_122 = arith.addi %add3A_121, %iota3A : vector<16xi32>
    %and3A_123 = arith.constant 15 : i32
    %and3A_124 = vector.broadcast %and3A_123 : i32 to vector<16xi32>
    %and3A_125 = arith.andi %add3A_122, %and3A_124 : vector<16xi32>
    %shift_right_arithmetic3A_126 = arith.constant 3 : i32
    %shift_right_arithmetic3A_127 = vector.broadcast %shift_right_arithmetic3A_126 : i32 to vector<16xi32>
    %shift_right_arithmetic3A_128 = arith.shrsi %and3A_125, %shift_right_arithmetic3A_127 : vector<16xi32>
    %shift_left3A_129 = arith.constant 12 : i32
    %shift_left3A_130 = vector.broadcast %shift_left3A_129 : i32 to vector<16xi32>
    %shift_left3A_131 = arith.shli %shift_right_arithmetic3A_128, %shift_left3A_130 : vector<16xi32>
    %and3A_132 = arith.constant 7 : i32
    %and3A_133 = vector.broadcast %and3A_132 : i32 to vector<16xi32>
    %and3A_134 = arith.andi %and3A_125, %and3A_133 : vector<16xi32>
    %shift_left3A_135 = arith.constant 7 : i32
    %shift_left3A_136 = vector.broadcast %shift_left3A_135 : i32 to vector<16xi32>
    %shift_left3A_137 = arith.shli %and3A_134, %shift_left3A_136 : vector<16xi32>
    %add3A_138 = arith.addi %shift_left3A_131, %shift_left3A_137 : vector<16xi32>
    %add3A_139 = arith.addi %add3A_138, %iota3A : vector<16xi32>
    %add3A_140 = arith.constant 7 : i32
    %add3A_141 = vector.broadcast %add3A_140 : i32 to vector<16xi32>
    %add3A_142 = arith.addi %add3A_141, %iota3A : vector<16xi32>
    %and3A_143 = arith.constant 15 : i32
    %and3A_144 = vector.broadcast %and3A_143 : i32 to vector<16xi32>
    %and3A_145 = arith.andi %add3A_142, %and3A_144 : vector<16xi32>
    %shift_right_arithmetic3A_146 = arith.constant 3 : i32
    %shift_right_arithmetic3A_147 = vector.broadcast %shift_right_arithmetic3A_146 : i32 to vector<16xi32>
    %shift_right_arithmetic3A_148 = arith.shrsi %and3A_145, %shift_right_arithmetic3A_147 : vector<16xi32>
    %shift_left3A_149 = arith.constant 12 : i32
    %shift_left3A_150 = vector.broadcast %shift_left3A_149 : i32 to vector<16xi32>
    %shift_left3A_151 = arith.shli %shift_right_arithmetic3A_148, %shift_left3A_150 : vector<16xi32>
    %and3A_152 = arith.constant 7 : i32
    %and3A_153 = vector.broadcast %and3A_152 : i32 to vector<16xi32>
    %and3A_154 = arith.andi %and3A_145, %and3A_153 : vector<16xi32>
    %shift_left3A_155 = arith.constant 7 : i32
    %shift_left3A_156 = vector.broadcast %shift_left3A_155 : i32 to vector<16xi32>
    %shift_left3A_157 = arith.shli %and3A_154, %shift_left3A_156 : vector<16xi32>
    %add3A_158 = arith.addi %shift_left3A_151, %shift_left3A_157 : vector<16xi32>
    %add3A_159 = arith.addi %add3A_158, %iota3A : vector<16xi32>
    %add3A_160 = arith.constant 8 : i32
    %add3A_161 = vector.broadcast %add3A_160 : i32 to vector<16xi32>
    %add3A_162 = arith.addi %add3A_161, %iota3A : vector<16xi32>
    %and3A_163 = arith.constant 15 : i32
    %and3A_164 = vector.broadcast %and3A_163 : i32 to vector<16xi32>
    %and3A_165 = arith.andi %add3A_162, %and3A_164 : vector<16xi32>
    %shift_right_arithmetic3A_166 = arith.constant 3 : i32
    %shift_right_arithmetic3A_167 = vector.broadcast %shift_right_arithmetic3A_166 : i32 to vector<16xi32>
    %shift_right_arithmetic3A_168 = arith.shrsi %and3A_165, %shift_right_arithmetic3A_167 : vector<16xi32>
    %shift_left3A_169 = arith.constant 12 : i32
    %shift_left3A_170 = vector.broadcast %shift_left3A_169 : i32 to vector<16xi32>
    %shift_left3A_171 = arith.shli %shift_right_arithmetic3A_168, %shift_left3A_170 : vector<16xi32>
    %and3A_172 = arith.constant 7 : i32
    %and3A_173 = vector.broadcast %and3A_172 : i32 to vector<16xi32>
    %and3A_174 = arith.andi %and3A_165, %and3A_173 : vector<16xi32>
    %shift_left3A_175 = arith.constant 7 : i32
    %shift_left3A_176 = vector.broadcast %shift_left3A_175 : i32 to vector<16xi32>
    %shift_left3A_177 = arith.shli %and3A_174, %shift_left3A_176 : vector<16xi32>
    %add3A_178 = arith.addi %shift_left3A_171, %shift_left3A_177 : vector<16xi32>
    %add3A_179 = arith.addi %add3A_178, %iota3A : vector<16xi32>
    %add3A_180 = arith.constant 9 : i32
    %add3A_181 = vector.broadcast %add3A_180 : i32 to vector<16xi32>
    %add3A_182 = arith.addi %add3A_181, %iota3A : vector<16xi32>
    %and3A_183 = arith.constant 15 : i32
    %and3A_184 = vector.broadcast %and3A_183 : i32 to vector<16xi32>
    %and3A_185 = arith.andi %add3A_182, %and3A_184 : vector<16xi32>
    %shift_right_arithmetic3A_186 = arith.constant 3 : i32
    %shift_right_arithmetic3A_187 = vector.broadcast %shift_right_arithmetic3A_186 : i32 to vector<16xi32>
    %shift_right_arithmetic3A_188 = arith.shrsi %and3A_185, %shift_right_arithmetic3A_187 : vector<16xi32>
    %shift_left3A_189 = arith.constant 12 : i32
    %shift_left3A_190 = vector.broadcast %shift_left3A_189 : i32 to vector<16xi32>
    %shift_left3A_191 = arith.shli %shift_right_arithmetic3A_188, %shift_left3A_190 : vector<16xi32>
    %and3A_192 = arith.constant 7 : i32
    %and3A_193 = vector.broadcast %and3A_192 : i32 to vector<16xi32>
    %and3A_194 = arith.andi %and3A_185, %and3A_193 : vector<16xi32>
    %shift_left3A_195 = arith.constant 7 : i32
    %shift_left3A_196 = vector.broadcast %shift_left3A_195 : i32 to vector<16xi32>
    %shift_left3A_197 = arith.shli %and3A_194, %shift_left3A_196 : vector<16xi32>
    %add3A_198 = arith.addi %shift_left3A_191, %shift_left3A_197 : vector<16xi32>
    %add3A_199 = arith.addi %add3A_198, %iota3A : vector<16xi32>
    %add3A_200 = arith.constant 10 : i32
    %add3A_201 = vector.broadcast %add3A_200 : i32 to vector<16xi32>
    %add3A_202 = arith.addi %add3A_201, %iota3A : vector<16xi32>
    %and3A_203 = arith.constant 15 : i32
    %and3A_204 = vector.broadcast %and3A_203 : i32 to vector<16xi32>
    %and3A_205 = arith.andi %add3A_202, %and3A_204 : vector<16xi32>
    %shift_right_arithmetic3A_206 = arith.constant 3 : i32
    %shift_right_arithmetic3A_207 = vector.broadcast %shift_right_arithmetic3A_206 : i32 to vector<16xi32>
    %shift_right_arithmetic3A_208 = arith.shrsi %and3A_205, %shift_right_arithmetic3A_207 : vector<16xi32>
    %shift_left3A_209 = arith.constant 12 : i32
    %shift_left3A_210 = vector.broadcast %shift_left3A_209 : i32 to vector<16xi32>
    %shift_left3A_211 = arith.shli %shift_right_arithmetic3A_208, %shift_left3A_210 : vector<16xi32>
    %and3A_212 = arith.constant 7 : i32
    %and3A_213 = vector.broadcast %and3A_212 : i32 to vector<16xi32>
    %and3A_214 = arith.andi %and3A_205, %and3A_213 : vector<16xi32>
    %shift_left3A_215 = arith.constant 7 : i32
    %shift_left3A_216 = vector.broadcast %shift_left3A_215 : i32 to vector<16xi32>
    %shift_left3A_217 = arith.shli %and3A_214, %shift_left3A_216 : vector<16xi32>
    %add3A_218 = arith.addi %shift_left3A_211, %shift_left3A_217 : vector<16xi32>
    %add3A_219 = arith.addi %add3A_218, %iota3A : vector<16xi32>
    %add3A_220 = arith.constant 11 : i32
    %add3A_221 = vector.broadcast %add3A_220 : i32 to vector<16xi32>
    %add3A_222 = arith.addi %add3A_221, %iota3A : vector<16xi32>
    %and3A_223 = arith.constant 15 : i32
    %and3A_224 = vector.broadcast %and3A_223 : i32 to vector<16xi32>
    %and3A_225 = arith.andi %add3A_222, %and3A_224 : vector<16xi32>
    %shift_right_arithmetic3A_226 = arith.constant 3 : i32
    %shift_right_arithmetic3A_227 = vector.broadcast %shift_right_arithmetic3A_226 : i32 to vector<16xi32>
    %shift_right_arithmetic3A_228 = arith.shrsi %and3A_225, %shift_right_arithmetic3A_227 : vector<16xi32>
    %shift_left3A_229 = arith.constant 12 : i32
    %shift_left3A_230 = vector.broadcast %shift_left3A_229 : i32 to vector<16xi32>
    %shift_left3A_231 = arith.shli %shift_right_arithmetic3A_228, %shift_left3A_230 : vector<16xi32>
    %and3A_232 = arith.constant 7 : i32
    %and3A_233 = vector.broadcast %and3A_232 : i32 to vector<16xi32>
    %and3A_234 = arith.andi %and3A_225, %and3A_233 : vector<16xi32>
    %shift_left3A_235 = arith.constant 7 : i32
    %shift_left3A_236 = vector.broadcast %shift_left3A_235 : i32 to vector<16xi32>
    %shift_left3A_237 = arith.shli %and3A_234, %shift_left3A_236 : vector<16xi32>
    %add3A_238 = arith.addi %shift_left3A_231, %shift_left3A_237 : vector<16xi32>
    %add3A_239 = arith.addi %add3A_238, %iota3A : vector<16xi32>
    %add3A_240 = arith.constant 12 : i32
    %add3A_241 = vector.broadcast %add3A_240 : i32 to vector<16xi32>
    %add3A_242 = arith.addi %add3A_241, %iota3A : vector<16xi32>
    %and3A_243 = arith.constant 15 : i32
    %and3A_244 = vector.broadcast %and3A_243 : i32 to vector<16xi32>
    %and3A_245 = arith.andi %add3A_242, %and3A_244 : vector<16xi32>
    %shift_right_arithmetic3A_246 = arith.constant 3 : i32
    %shift_right_arithmetic3A_247 = vector.broadcast %shift_right_arithmetic3A_246 : i32 to vector<16xi32>
    %shift_right_arithmetic3A_248 = arith.shrsi %and3A_245, %shift_right_arithmetic3A_247 : vector<16xi32>
    %shift_left3A_249 = arith.constant 12 : i32
    %shift_left3A_250 = vector.broadcast %shift_left3A_249 : i32 to vector<16xi32>
    %shift_left3A_251 = arith.shli %shift_right_arithmetic3A_248, %shift_left3A_250 : vector<16xi32>
    %and3A_252 = arith.constant 7 : i32
    %and3A_253 = vector.broadcast %and3A_252 : i32 to vector<16xi32>
    %and3A_254 = arith.andi %and3A_245, %and3A_253 : vector<16xi32>
    %shift_left3A_255 = arith.constant 7 : i32
    %shift_left3A_256 = vector.broadcast %shift_left3A_255 : i32 to vector<16xi32>
    %shift_left3A_257 = arith.shli %and3A_254, %shift_left3A_256 : vector<16xi32>
    %add3A_258 = arith.addi %shift_left3A_251, %shift_left3A_257 : vector<16xi32>
    %add3A_259 = arith.addi %add3A_258, %iota3A : vector<16xi32>
    %add3A_260 = arith.constant 13 : i32
    %add3A_261 = vector.broadcast %add3A_260 : i32 to vector<16xi32>
    %add3A_262 = arith.addi %add3A_261, %iota3A : vector<16xi32>
    %and3A_263 = arith.constant 15 : i32
    %and3A_264 = vector.broadcast %and3A_263 : i32 to vector<16xi32>
    %and3A_265 = arith.andi %add3A_262, %and3A_264 : vector<16xi32>
    %shift_right_arithmetic3A_266 = arith.constant 3 : i32
    %shift_right_arithmetic3A_267 = vector.broadcast %shift_right_arithmetic3A_266 : i32 to vector<16xi32>
    %shift_right_arithmetic3A_268 = arith.shrsi %and3A_265, %shift_right_arithmetic3A_267 : vector<16xi32>
    %shift_left3A_269 = arith.constant 12 : i32
    %shift_left3A_270 = vector.broadcast %shift_left3A_269 : i32 to vector<16xi32>
    %shift_left3A_271 = arith.shli %shift_right_arithmetic3A_268, %shift_left3A_270 : vector<16xi32>
    %and3A_272 = arith.constant 7 : i32
    %and3A_273 = vector.broadcast %and3A_272 : i32 to vector<16xi32>
    %and3A_274 = arith.andi %and3A_265, %and3A_273 : vector<16xi32>
    %shift_left3A_275 = arith.constant 7 : i32
    %shift_left3A_276 = vector.broadcast %shift_left3A_275 : i32 to vector<16xi32>
    %shift_left3A_277 = arith.shli %and3A_274, %shift_left3A_276 : vector<16xi32>
    %add3A_278 = arith.addi %shift_left3A_271, %shift_left3A_277 : vector<16xi32>
    %add3A_279 = arith.addi %add3A_278, %iota3A : vector<16xi32>
    %add3A_280 = arith.constant 14 : i32
    %add3A_281 = vector.broadcast %add3A_280 : i32 to vector<16xi32>
    %add3A_282 = arith.addi %add3A_281, %iota3A : vector<16xi32>
    %and3A_283 = arith.constant 15 : i32
    %and3A_284 = vector.broadcast %and3A_283 : i32 to vector<16xi32>
    %and3A_285 = arith.andi %add3A_282, %and3A_284 : vector<16xi32>
    %shift_right_arithmetic3A_286 = arith.constant 3 : i32
    %shift_right_arithmetic3A_287 = vector.broadcast %shift_right_arithmetic3A_286 : i32 to vector<16xi32>
    %shift_right_arithmetic3A_288 = arith.shrsi %and3A_285, %shift_right_arithmetic3A_287 : vector<16xi32>
    %shift_left3A_289 = arith.constant 12 : i32
    %shift_left3A_290 = vector.broadcast %shift_left3A_289 : i32 to vector<16xi32>
    %shift_left3A_291 = arith.shli %shift_right_arithmetic3A_288, %shift_left3A_290 : vector<16xi32>
    %and3A_292 = arith.constant 7 : i32
    %and3A_293 = vector.broadcast %and3A_292 : i32 to vector<16xi32>
    %and3A_294 = arith.andi %and3A_285, %and3A_293 : vector<16xi32>
    %shift_left3A_295 = arith.constant 7 : i32
    %shift_left3A_296 = vector.broadcast %shift_left3A_295 : i32 to vector<16xi32>
    %shift_left3A_297 = arith.shli %and3A_294, %shift_left3A_296 : vector<16xi32>
    %add3A_298 = arith.addi %shift_left3A_291, %shift_left3A_297 : vector<16xi32>
    %add3A_299 = arith.addi %add3A_298, %iota3A : vector<16xi32>
    %add3A_300 = arith.constant 15 : i32
    %add3A_301 = vector.broadcast %add3A_300 : i32 to vector<16xi32>
    %add3A_302 = arith.addi %add3A_301, %iota3A : vector<16xi32>
    %and3A_303 = arith.constant 15 : i32
    %and3A_304 = vector.broadcast %and3A_303 : i32 to vector<16xi32>
    %and3A_305 = arith.andi %add3A_302, %and3A_304 : vector<16xi32>
    %shift_right_arithmetic3A_306 = arith.constant 3 : i32
    %shift_right_arithmetic3A_307 = vector.broadcast %shift_right_arithmetic3A_306 : i32 to vector<16xi32>
    %shift_right_arithmetic3A_308 = arith.shrsi %and3A_305, %shift_right_arithmetic3A_307 : vector<16xi32>
    %shift_left3A_309 = arith.constant 12 : i32
    %shift_left3A_310 = vector.broadcast %shift_left3A_309 : i32 to vector<16xi32>
    %shift_left3A_311 = arith.shli %shift_right_arithmetic3A_308, %shift_left3A_310 : vector<16xi32>
    %and3A_312 = arith.constant 7 : i32
    %and3A_313 = vector.broadcast %and3A_312 : i32 to vector<16xi32>
    %and3A_314 = arith.andi %and3A_305, %and3A_313 : vector<16xi32>
    %shift_left3A_315 = arith.constant 7 : i32
    %shift_left3A_316 = vector.broadcast %shift_left3A_315 : i32 to vector<16xi32>
    %shift_left3A_317 = arith.shli %and3A_314, %shift_left3A_316 : vector<16xi32>
    %add3A_318 = arith.addi %shift_left3A_311, %shift_left3A_317 : vector<16xi32>
    %add3A_319 = arith.addi %add3A_318, %iota3A : vector<16xi32>
    %add3A_320 = arith.constant 0 : i32
    %add3A_321 = arith.addi %add3A_320, %mul3A_2 : i32
    %dma_start3A = tpu.memref_slice %arg2[%add3A_321] : memref<819200xi32, #tpu.memory_space<hbm>> -> memref<512xi32, #tpu.memory_space<hbm>>
    %dma_start3A_322 = tpu.memref_slice %arg2[%add3A_321] : memref<819200xi32, #tpu.memory_space<hbm>> -> memref<512xi32, #tpu.memory_space<hbm>>
    tpu.enqueue_dma source(%dma_start3A_322 : memref<512xi32, #tpu.memory_space<hbm>>) target(%arg5 : memref<512xi32, #tpu.memory_space<vmem>>) target_semaphore(%arg15 : memref<!tpu.dma_semaphore, #tpu.memory_space<semaphore_mem>>)
    %add3A_323 = arith.constant 0 : i32
    %add3A_324 = arith.addi %add3A_323, %mul3A_2 : i32
    %dma_wait3A = tpu.memref_slice %arg2[%add3A_324] : memref<819200xi32, #tpu.memory_space<hbm>> -> memref<512xi32, #tpu.memory_space<hbm>>
    %dma_wait3A_325 = tpu.memref_slice %arg2[%add3A_324] : memref<819200xi32, #tpu.memory_space<hbm>> -> memref<512xi32, #tpu.memory_space<hbm>>
    tpu.wait_dma2 semaphore(%arg15 : memref<!tpu.dma_semaphore, #tpu.memory_space<semaphore_mem>>) src(%dma_wait3A_325 : memref<512xi32, #tpu.memory_space<hbm>>) dst(%arg5 : memref<512xi32, #tpu.memory_space<vmem>>)
    %dma_start3A_326 = arith.constant 0 : i32
    %dma_start3A_327 = arith.constant 0 : i32
    %dma_start3A_328 = tpu.memref_slice %arg3[%dma_start3A_326, %dma_start3A_327] : memref<1000000x32xf32, #tpu.memory_space<hbm>> -> memref<1000000x32xf32, #tpu.memory_space<hbm>>
    tpu.enqueue_indirect_dma source(%dma_start3A_328 : memref<1000000x32xf32, #tpu.memory_space<hbm>>) target(%arg7 : memref<512x32xf32, #tpu.memory_space<vmem>>) offsets(%arg5 : memref<512xi32, #tpu.memory_space<vmem>>) semaphore(%arg11 : memref<!tpu.dma_semaphore, #tpu.memory_space<semaphore_mem>>)
    %add3A_329 = arith.constant 16384 : i32
    %add3A_330 = arith.addi %add3A_329, %mul3A_2 : i32
    %dma_start3A_331 = tpu.memref_slice %arg2[%add3A_330] : memref<819200xi32, #tpu.memory_space<hbm>> -> memref<512xi32, #tpu.memory_space<hbm>>
    %dma_start3A_332 = tpu.memref_slice %arg2[%add3A_330] : memref<819200xi32, #tpu.memory_space<hbm>> -> memref<512xi32, #tpu.memory_space<hbm>>
    tpu.enqueue_dma source(%dma_start3A_332 : memref<512xi32, #tpu.memory_space<hbm>>) target(%arg6 : memref<512xi32, #tpu.memory_space<vmem>>) target_semaphore(%arg16 : memref<!tpu.dma_semaphore, #tpu.memory_space<semaphore_mem>>)
    %scan3A = arith.constant 0 : i32
    %scan3A_333 = arith.constant 25 : i32
    %scan3A_334 = arith.addi %scan3A, %scan3A_333 : i32
    %scan3A_335 = arith.constant 1 : i32
    scf.for %scan3A_425 = %scan3A to %scan3A_334 step %scan3A_335  : i32 {
      %mul3A_426 = arith.constant 2 : i32
      %mul3A_427 = arith.muli %scan3A_425, %mul3A_426 : i32
      %add3A_428 = arith.constant 0 : i32
      %add3A_429 = arith.addi %add3A_428, %mul3A_427 : i32
      %add3A_430 = arith.constant 0 : i32
      %add3A_431 = arith.addi %add3A_429, %add3A_430 : i32
      %dma_wait3A_432 = arith.constant 0 : i32
      %dma_wait3A_433 = arith.constant 0 : i32
      %dma_wait3A_434 = tpu.memref_slice %arg3[%dma_wait3A_432, %dma_wait3A_433] : memref<1000000x32xf32, #tpu.memory_space<hbm>> -> memref<1000000x32xf32, #tpu.memory_space<hbm>>
      tpu.wait_indirect_dma semaphore(%arg11 : memref<!tpu.dma_semaphore, #tpu.memory_space<semaphore_mem>>) src(%dma_wait3A_434 : memref<1000000x32xf32, #tpu.memory_space<hbm>>) dst(%arg7 : memref<512x32xf32, #tpu.memory_space<vmem>>)
      %lt3A = arith.constant 48 : i32
      %lt3A_435 = arith.cmpi slt, %add3A_429, %lt3A : i32
      %convert_element_type3A = arith.extui %lt3A_435 : i1 to i32
      %cond3A = arith.constant 0 : i32
      %cond3A_436 = arith.cmpi ne, %convert_element_type3A, %cond3A : i32
      scf.if %cond3A_436 {
        %add3A_571 = arith.constant 2 : i32
        %add3A_572 = arith.addi %add3A_431, %add3A_571 : i32
        %mul3A_573 = arith.constant 16384 : i32
        %mul3A_574 = arith.muli %add3A_572, %mul3A_573 : i32
        %add3A_575 = arith.addi %mul3A_574, %mul3A_2 : i32
        %dma_start3A_576 = tpu.memref_slice %arg2[%add3A_575] : memref<819200xi32, #tpu.memory_space<hbm>> -> memref<512xi32, #tpu.memory_space<hbm>>
        %dma_start3A_577 = tpu.memref_slice %arg2[%add3A_575] : memref<819200xi32, #tpu.memory_space<hbm>> -> memref<512xi32, #tpu.memory_space<hbm>>
        tpu.enqueue_dma source(%dma_start3A_577 : memref<512xi32, #tpu.memory_space<hbm>>) target(%arg5 : memref<512xi32, #tpu.memory_space<vmem>>) target_semaphore(%arg15 : memref<!tpu.dma_semaphore, #tpu.memory_space<semaphore_mem>>)
      } else {
      }
      %add3A_437 = arith.constant 1 : i32
      %add3A_438 = arith.addi %add3A_431, %add3A_437 : i32
      %mul3A_439 = arith.constant 16384 : i32
      %mul3A_440 = arith.muli %add3A_438, %mul3A_439 : i32
      %add3A_441 = arith.addi %mul3A_440, %mul3A_2 : i32
      %dma_wait3A_442 = tpu.memref_slice %arg2[%add3A_441] : memref<819200xi32, #tpu.memory_space<hbm>> -> memref<512xi32, #tpu.memory_space<hbm>>
      %dma_wait3A_443 = tpu.memref_slice %arg2[%add3A_441] : memref<819200xi32, #tpu.memory_space<hbm>> -> memref<512xi32, #tpu.memory_space<hbm>>
      tpu.wait_dma2 semaphore(%arg16 : memref<!tpu.dma_semaphore, #tpu.memory_space<semaphore_mem>>) src(%dma_wait3A_443 : memref<512xi32, #tpu.memory_space<hbm>>) dst(%arg6 : memref<512xi32, #tpu.memory_space<vmem>>)
      %dma_start3A_444 = arith.constant 0 : i32
      %dma_start3A_445 = arith.constant 0 : i32
      %dma_start3A_446 = tpu.memref_slice %arg3[%dma_start3A_444, %dma_start3A_445] : memref<1000000x32xf32, #tpu.memory_space<hbm>> -> memref<1000000x32xf32, #tpu.memory_space<hbm>>
      tpu.enqueue_indirect_dma source(%dma_start3A_446 : memref<1000000x32xf32, #tpu.memory_space<hbm>>) target(%arg8 : memref<512x32xf32, #tpu.memory_space<vmem>>) offsets(%arg6 : memref<512xi32, #tpu.memory_space<vmem>>) semaphore(%arg12 : memref<!tpu.dma_semaphore, #tpu.memory_space<semaphore_mem>>)
      %ge3A = arith.constant 2 : i32
      %ge3A_447 = arith.cmpi sge, %add3A_429, %ge3A : i32
      %convert_element_type3A_448 = arith.extui %ge3A_447 : i1 to i32
      %cond3A_449 = arith.constant 0 : i32
      %cond3A_450 = arith.cmpi ne, %convert_element_type3A_448, %cond3A_449 : i32
      scf.if %cond3A_450 {
        %sub3A = arith.constant 2 : i32
        %sub3A_571 = arith.subi %add3A_431, %sub3A : i32
        %mul3A_572 = arith.constant 512 : i32
        %mul3A_573 = arith.muli %sub3A_571, %mul3A_572 : i32
        %mul3A_574 = arith.constant 4 : i32
        %mul3A_575 = arith.muli %add3A, %mul3A_574 : i32
        %add3A_576 = arith.addi %mul3A_573, %mul3A_575 : i32
        %add3A_577 = arith.constant 0 : i32
        %add3A_578 = arith.addi %add3A_576, %add3A_577 : i32
        %mul3A_579 = arith.constant 1024 : i32
        %mul3A_580 = arith.muli %add3A_578, %mul3A_579 : i32
        %dma_wait3A_581 = arith.constant 0 : i32
        %dma_wait3A_582 = tpu.memref_slice %arg9[%dma_wait3A_581] : memref<16384xf32, #tpu.memory_space<vmem>> -> memref<4096xf32, #tpu.memory_space<vmem>>
        %dma_wait3A_583 = tpu.memref_slice %arg4[%mul3A_580] : memref<26214400xf32, #tpu.memory_space<hbm>> -> memref<4096xf32, #tpu.memory_space<hbm>>
        %dma_wait3A_584 = tpu.memref_slice %arg4[%mul3A_580] : memref<26214400xf32, #tpu.memory_space<hbm>> -> memref<4096xf32, #tpu.memory_space<hbm>>
        %dma_wait3A_585 = arith.constant 0 : i32
        %dma_wait3A_586 = tpu.memref_slice %arg9[%dma_wait3A_585] : memref<16384xf32, #tpu.memory_space<vmem>> -> memref<4096xf32, #tpu.memory_space<vmem>>
        tpu.wait_dma2 semaphore(%arg13 : memref<!tpu.dma_semaphore, #tpu.memory_space<semaphore_mem>>) src(%dma_wait3A_586 : memref<4096xf32, #tpu.memory_space<vmem>>) dst(%dma_wait3A_584 : memref<4096xf32, #tpu.memory_space<hbm>>)
        %add3A_587 = arith.constant 128 : i32
        %add3A_588 = arith.addi %add3A_576, %add3A_587 : i32
        %mul3A_589 = arith.constant 1024 : i32
        %mul3A_590 = arith.muli %add3A_588, %mul3A_589 : i32
        %dma_wait3A_591 = arith.constant 4096 : i32
        %dma_wait3A_592 = tpu.memref_slice %arg9[%dma_wait3A_591] : memref<16384xf32, #tpu.memory_space<vmem>> -> memref<4096xf32, #tpu.memory_space<vmem>>
        %dma_wait3A_593 = tpu.memref_slice %arg4[%mul3A_590] : memref<26214400xf32, #tpu.memory_space<hbm>> -> memref<4096xf32, #tpu.memory_space<hbm>>
        %dma_wait3A_594 = tpu.memref_slice %arg4[%mul3A_590] : memref<26214400xf32, #tpu.memory_space<hbm>> -> memref<4096xf32, #tpu.memory_space<hbm>>
        %dma_wait3A_595 = arith.constant 4096 : i32
        %dma_wait3A_596 = tpu.memref_slice %arg9[%dma_wait3A_595] : memref<16384xf32, #tpu.memory_space<vmem>> -> memref<4096xf32, #tpu.memory_space<vmem>>
        tpu.wait_dma2 semaphore(%arg13 : memref<!tpu.dma_semaphore, #tpu.memory_space<semaphore_mem>>) src(%dma_wait3A_596 : memref<4096xf32, #tpu.memory_space<vmem>>) dst(%dma_wait3A_594 : memref<4096xf32, #tpu.memory_space<hbm>>)
        %add3A_597 = arith.constant 256 : i32
        %add3A_598 = arith.addi %add3A_576, %add3A_597 : i32
        %mul3A_599 = arith.constant 1024 : i32
        %mul3A_600 = arith.muli %add3A_598, %mul3A_599 : i32
        %dma_wait3A_601 = arith.constant 8192 : i32
        %dma_wait3A_602 = tpu.memref_slice %arg9[%dma_wait3A_601] : memref<16384xf32, #tpu.memory_space<vmem>> -> memref<4096xf32, #tpu.memory_space<vmem>>
        %dma_wait3A_603 = tpu.memref_slice %arg4[%mul3A_600] : memref<26214400xf32, #tpu.memory_space<hbm>> -> memref<4096xf32, #tpu.memory_space<hbm>>
        %dma_wait3A_604 = tpu.memref_slice %arg4[%mul3A_600] : memref<26214400xf32, #tpu.memory_space<hbm>> -> memref<4096xf32, #tpu.memory_space<hbm>>
        %dma_wait3A_605 = arith.constant 8192 : i32
        %dma_wait3A_606 = tpu.memref_slice %arg9[%dma_wait3A_605] : memref<16384xf32, #tpu.memory_space<vmem>> -> memref<4096xf32, #tpu.memory_space<vmem>>
        tpu.wait_dma2 semaphore(%arg13 : memref<!tpu.dma_semaphore, #tpu.memory_space<semaphore_mem>>) src(%dma_wait3A_606 : memref<4096xf32, #tpu.memory_space<vmem>>) dst(%dma_wait3A_604 : memref<4096xf32, #tpu.memory_space<hbm>>)
        %add3A_607 = arith.constant 384 : i32
        %add3A_608 = arith.addi %add3A_576, %add3A_607 : i32
        %mul3A_609 = arith.constant 1024 : i32
        %mul3A_610 = arith.muli %add3A_608, %mul3A_609 : i32
        %dma_wait3A_611 = arith.constant 12288 : i32
        %dma_wait3A_612 = tpu.memref_slice %arg9[%dma_wait3A_611] : memref<16384xf32, #tpu.memory_space<vmem>> -> memref<4096xf32, #tpu.memory_space<vmem>>
        %dma_wait3A_613 = tpu.memref_slice %arg4[%mul3A_610] : memref<26214400xf32, #tpu.memory_space<hbm>> -> memref<4096xf32, #tpu.memory_space<hbm>>
        %dma_wait3A_614 = tpu.memref_slice %arg4[%mul3A_610] : memref<26214400xf32, #tpu.memory_space<hbm>> -> memref<4096xf32, #tpu.memory_space<hbm>>
        %dma_wait3A_615 = arith.constant 12288 : i32
        %dma_wait3A_616 = tpu.memref_slice %arg9[%dma_wait3A_615] : memref<16384xf32, #tpu.memory_space<vmem>> -> memref<4096xf32, #tpu.memory_space<vmem>>
        tpu.wait_dma2 semaphore(%arg13 : memref<!tpu.dma_semaphore, #tpu.memory_space<semaphore_mem>>) src(%dma_wait3A_616 : memref<4096xf32, #tpu.memory_space<vmem>>) dst(%dma_wait3A_614 : memref<4096xf32, #tpu.memory_space<hbm>>)
      } else {
      }
      %scan3A_451 = arith.constant 0 : i32
      %scan3A_452 = arith.constant 4 : i32
      %scan3A_453 = arith.addi %scan3A_451, %scan3A_452 : i32
      %scan3A_454 = arith.constant 1 : i32
      scf.for %scan3A_571 = %scan3A_451 to %scan3A_453 step %scan3A_454  : i32 {
        %mul3A_572 = arith.constant 1 : i32
        %mul3A_573 = arith.muli %scan3A_571, %mul3A_572 : i32
        %add3A_574 = arith.constant 0 : i32
        %add3A_575 = arith.addi %add3A_574, %mul3A_573 : i32
        %scan3A_576 = arith.constant 0 : i32
        %scan3A_577 = arith.constant 8 : i32
        %scan3A_578 = arith.addi %scan3A_576, %scan3A_577 : i32
        %scan3A_579 = arith.constant 1 : i32
        scf.for %scan3A_581 = %scan3A_576 to %scan3A_578 step %scan3A_579  : i32 {
          %mul3A_582 = arith.constant 1 : i32
          %mul3A_583 = arith.muli %scan3A_581, %mul3A_582 : i32
          %add3A_584 = arith.constant 0 : i32
          %add3A_585 = arith.addi %add3A_584, %mul3A_583 : i32
          %mul3A_586 = arith.constant 128 : i32
          %mul3A_587 = arith.muli %add3A_575, %mul3A_586 : i32
          %mul3A_588 = arith.constant 16 : i32
          %mul3A_589 = arith.muli %add3A_585, %mul3A_588 : i32
          %add3A_590 = arith.addi %mul3A_587, %mul3A_589 : i32
          %shift_left3A_591 = arith.constant 10 : i32
          %shift_left3A_592 = arith.shli %add3A_575, %shift_left3A_591 : i32
          %mul3A_593 = arith.constant 16 : i32
          %mul3A_594 = arith.muli %add3A_585, %mul3A_593 : i32
          %add3A_595 = arith.addi %shift_left3A_592, %mul3A_594 : i32
          %add3A_596 = vector.broadcast %add3A_590 : i32 to vector<16xi32>
          %add3A_597 = arith.addi %add3A_596, %iota3A : vector<16xi32>
          %gather3A = tpu.vector_load_idx %arg7[%add3A_597, %and3A_7] : memref<512x32xf32, #tpu.memory_space<vmem>>[vector<16xi32>, vector<16xi32>], vector<16xf32>,
          %gather3A_598 = tpu.vector_load_idx %arg7[%add3A_597, %and3A_25] : memref<512x32xf32, #tpu.memory_space<vmem>>[vector<16xi32>, vector<16xi32>], vector<16xf32>,
          %gather3A_599 = tpu.vector_load_idx %arg7[%add3A_597, %and3A_45] : memref<512x32xf32, #tpu.memory_space<vmem>>[vector<16xi32>, vector<16xi32>], vector<16xf32>,
          %gather3A_600 = tpu.vector_load_idx %arg7[%add3A_597, %and3A_65] : memref<512x32xf32, #tpu.memory_space<vmem>>[vector<16xi32>, vector<16xi32>], vector<16xf32>,
          %gather3A_601 = tpu.vector_load_idx %arg7[%add3A_597, %and3A_85] : memref<512x32xf32, #tpu.memory_space<vmem>>[vector<16xi32>, vector<16xi32>], vector<16xf32>,
          %gather3A_602 = tpu.vector_load_idx %arg7[%add3A_597, %and3A_105] : memref<512x32xf32, #tpu.memory_space<vmem>>[vector<16xi32>, vector<16xi32>], vector<16xf32>,
          %gather3A_603 = tpu.vector_load_idx %arg7[%add3A_597, %and3A_125] : memref<512x32xf32, #tpu.memory_space<vmem>>[vector<16xi32>, vector<16xi32>], vector<16xf32>,
          %gather3A_604 = tpu.vector_load_idx %arg7[%add3A_597, %and3A_145] : memref<512x32xf32, #tpu.memory_space<vmem>>[vector<16xi32>, vector<16xi32>], vector<16xf32>,
          %add3A_605 = vector.broadcast %add3A_595 : i32 to vector<16xi32>
          %add3A_606 = arith.addi %add3A_19, %add3A_605 : vector<16xi32>
          tpu.vector_store_idx %arg9[%add3A_606], %gather3A : memref<16384xf32, #tpu.memory_space<vmem>>[vector<16xi32>], vector<16xf32>,
          %add3A_607 = vector.broadcast %add3A_595 : i32 to vector<16xi32>
          %add3A_608 = arith.addi %add3A_39, %add3A_607 : vector<16xi32>
          tpu.vector_store_idx %arg9[%add3A_608], %gather3A_598 : memref<16384xf32, #tpu.memory_space<vmem>>[vector<16xi32>], vector<16xf32>,
          %add3A_609 = vector.broadcast %add3A_595 : i32 to vector<16xi32>
          %add3A_610 = arith.addi %add3A_59, %add3A_609 : vector<16xi32>
          tpu.vector_store_idx %arg9[%add3A_610], %gather3A_599 : memref<16384xf32, #tpu.memory_space<vmem>>[vector<16xi32>], vector<16xf32>,
          %add3A_611 = vector.broadcast %add3A_595 : i32 to vector<16xi32>
          %add3A_612 = arith.addi %add3A_79, %add3A_611 : vector<16xi32>
          tpu.vector_store_idx %arg9[%add3A_612], %gather3A_600 : memref<16384xf32, #tpu.memory_space<vmem>>[vector<16xi32>], vector<16xf32>,
          %add3A_613 = vector.broadcast %add3A_595 : i32 to vector<16xi32>
          %add3A_614 = arith.addi %add3A_99, %add3A_613 : vector<16xi32>
          tpu.vector_store_idx %arg9[%add3A_614], %gather3A_601 : memref<16384xf32, #tpu.memory_space<vmem>>[vector<16xi32>], vector<16xf32>,
          %add3A_615 = vector.broadcast %add3A_595 : i32 to vector<16xi32>
          %add3A_616 = arith.addi %add3A_119, %add3A_615 : vector<16xi32>
          tpu.vector_store_idx %arg9[%add3A_616], %gather3A_602 : memref<16384xf32, #tpu.memory_space<vmem>>[vector<16xi32>], vector<16xf32>,
          %add3A_617 = vector.broadcast %add3A_595 : i32 to vector<16xi32>
          %add3A_618 = arith.addi %add3A_139, %add3A_617 : vector<16xi32>
          tpu.vector_store_idx %arg9[%add3A_618], %gather3A_603 : memref<16384xf32, #tpu.memory_space<vmem>>[vector<16xi32>], vector<16xf32>,
          %add3A_619 = vector.broadcast %add3A_595 : i32 to vector<16xi32>
          %add3A_620 = arith.addi %add3A_159, %add3A_619 : vector<16xi32>
          tpu.vector_store_idx %arg9[%add3A_620], %gather3A_604 : memref<16384xf32, #tpu.memory_space<vmem>>[vector<16xi32>], vector<16xf32>,
          %gather3A_621 = tpu.vector_load_idx %arg7[%add3A_597, %and3A_165] : memref<512x32xf32, #tpu.memory_space<vmem>>[vector<16xi32>, vector<16xi32>], vector<16xf32>,
          %gather3A_622 = tpu.vector_load_idx %arg7[%add3A_597, %and3A_185] : memref<512x32xf32, #tpu.memory_space<vmem>>[vector<16xi32>, vector<16xi32>], vector<16xf32>,
          %gather3A_623 = tpu.vector_load_idx %arg7[%add3A_597, %and3A_205] : memref<512x32xf32, #tpu.memory_space<vmem>>[vector<16xi32>, vector<16xi32>], vector<16xf32>,
          %gather3A_624 = tpu.vector_load_idx %arg7[%add3A_597, %and3A_225] : memref<512x32xf32, #tpu.memory_space<vmem>>[vector<16xi32>, vector<16xi32>], vector<16xf32>,
          %gather3A_625 = tpu.vector_load_idx %arg7[%add3A_597, %and3A_245] : memref<512x32xf32, #tpu.memory_space<vmem>>[vector<16xi32>, vector<16xi32>], vector<16xf32>,
          %gather3A_626 = tpu.vector_load_idx %arg7[%add3A_597, %and3A_265] : memref<512x32xf32, #tpu.memory_space<vmem>>[vector<16xi32>, vector<16xi32>], vector<16xf32>,
          %gather3A_627 = tpu.vector_load_idx %arg7[%add3A_597, %and3A_285] : memref<512x32xf32, #tpu.memory_space<vmem>>[vector<16xi32>, vector<16xi32>], vector<16xf32>,
          %gather3A_628 = tpu.vector_load_idx %arg7[%add3A_597, %and3A_305] : memref<512x32xf32, #tpu.memory_space<vmem>>[vector<16xi32>, vector<16xi32>], vector<16xf32>,
          %add3A_629 = vector.broadcast %add3A_595 : i32 to vector<16xi32>
          %add3A_630 = arith.addi %add3A_179, %add3A_629 : vector<16xi32>
          tpu.vector_store_idx %arg9[%add3A_630], %gather3A_621 : memref<16384xf32, #tpu.memory_space<vmem>>[vector<16xi32>], vector<16xf32>,
          %add3A_631 = vector.broadcast %add3A_595 : i32 to vector<16xi32>
          %add3A_632 = arith.addi %add3A_199, %add3A_631 : vector<16xi32>
          tpu.vector_store_idx %arg9[%add3A_632], %gather3A_622 : memref<16384xf32, #tpu.memory_space<vmem>>[vector<16xi32>], vector<16xf32>,
          %add3A_633 = vector.broadcast %add3A_595 : i32 to vector<16xi32>
          %add3A_634 = arith.addi %add3A_219, %add3A_633 : vector<16xi32>
          tpu.vector_store_idx %arg9[%add3A_634], %gather3A_623 : memref<16384xf32, #tpu.memory_space<vmem>>[vector<16xi32>], vector<16xf32>,
          %add3A_635 = vector.broadcast %add3A_595 : i32 to vector<16xi32>
          %add3A_636 = arith.addi %add3A_239, %add3A_635 : vector<16xi32>
          tpu.vector_store_idx %arg9[%add3A_636], %gather3A_624 : memref<16384xf32, #tpu.memory_space<vmem>>[vector<16xi32>], vector<16xf32>,
          %add3A_637 = vector.broadcast %add3A_595 : i32 to vector<16xi32>
          %add3A_638 = arith.addi %add3A_259, %add3A_637 : vector<16xi32>
          tpu.vector_store_idx %arg9[%add3A_638], %gather3A_625 : memref<16384xf32, #tpu.memory_space<vmem>>[vector<16xi32>], vector<16xf32>,
          %add3A_639 = vector.broadcast %add3A_595 : i32 to vector<16xi32>
          %add3A_640 = arith.addi %add3A_279, %add3A_639 : vector<16xi32>
          tpu.vector_store_idx %arg9[%add3A_640], %gather3A_626 : memref<16384xf32, #tpu.memory_space<vmem>>[vector<16xi32>], vector<16xf32>,
          %add3A_641 = vector.broadcast %add3A_595 : i32 to vector<16xi32>
          %add3A_642 = arith.addi %add3A_299, %add3A_641 : vector<16xi32>
          tpu.vector_store_idx %arg9[%add3A_642], %gather3A_627 : memref<16384xf32, #tpu.memory_space<vmem>>[vector<16xi32>], vector<16xf32>,
          %add3A_643 = vector.broadcast %add3A_595 : i32 to vector<16xi32>
          %add3A_644 = arith.addi %add3A_319, %add3A_643 : vector<16xi32>
          tpu.vector_store_idx %arg9[%add3A_644], %gather3A_628 : memref<16384xf32, #tpu.memory_space<vmem>>[vector<16xi32>], vector<16xf32>,
          %add3A_645 = arith.constant 8192 : i32
          %add3A_646 = arith.addi %add3A_595, %add3A_645 : i32
          %add3A_647 = arith.constant 16 : i32
          %add3A_648 = vector.broadcast %add3A_647 : i32 to vector<16xi32>
          %add3A_649 = arith.addi %and3A_7, %add3A_648 : vector<16xi32>
          %gather3A_650 = tpu.vector_load_idx %arg7[%add3A_597, %add3A_649] : memref<512x32xf32, #tpu.memory_space<vmem>>[vector<16xi32>, vector<16xi32>], vector<16xf32>,
          %add3A_651 = arith.constant 16 : i32
          %add3A_652 = vector.broadcast %add3A_651 : i32 to vector<16xi32>
          %add3A_653 = arith.addi %and3A_25, %add3A_652 : vector<16xi32>
          %gather3A_654 = tpu.vector_load_idx %arg7[%add3A_597, %add3A_653] : memref<512x32xf32, #tpu.memory_space<vmem>>[vector<16xi32>, vector<16xi32>], vector<16xf32>,
          %add3A_655 = arith.constant 16 : i32
          %add3A_656 = vector.broadcast %add3A_655 : i32 to vector<16xi32>
          %add3A_657 = arith.addi %and3A_45, %add3A_656 : vector<16xi32>
          %gather3A_658 = tpu.vector_load_idx %arg7[%add3A_597, %add3A_657] : memref<512x32xf32, #tpu.memory_space<vmem>>[vector<16xi32>, vector<16xi32>], vector<16xf32>,
          %add3A_659 = arith.constant 16 : i32
          %add3A_660 = vector.broadcast %add3A_659 : i32 to vector<16xi32>
          %add3A_661 = arith.addi %and3A_65, %add3A_660 : vector<16xi32>
          %gather3A_662 = tpu.vector_load_idx %arg7[%add3A_597, %add3A_661] : memref<512x32xf32, #tpu.memory_space<vmem>>[vector<16xi32>, vector<16xi32>], vector<16xf32>,
          %add3A_663 = arith.constant 16 : i32
          %add3A_664 = vector.broadcast %add3A_663 : i32 to vector<16xi32>
          %add3A_665 = arith.addi %and3A_85, %add3A_664 : vector<16xi32>
          %gather3A_666 = tpu.vector_load_idx %arg7[%add3A_597, %add3A_665] : memref<512x32xf32, #tpu.memory_space<vmem>>[vector<16xi32>, vector<16xi32>], vector<16xf32>,
          %add3A_667 = arith.constant 16 : i32
          %add3A_668 = vector.broadcast %add3A_667 : i32 to vector<16xi32>
          %add3A_669 = arith.addi %and3A_105, %add3A_668 : vector<16xi32>
          %gather3A_670 = tpu.vector_load_idx %arg7[%add3A_597, %add3A_669] : memref<512x32xf32, #tpu.memory_space<vmem>>[vector<16xi32>, vector<16xi32>], vector<16xf32>,
          %add3A_671 = arith.constant 16 : i32
          %add3A_672 = vector.broadcast %add3A_671 : i32 to vector<16xi32>
          %add3A_673 = arith.addi %and3A_125, %add3A_672 : vector<16xi32>
          %gather3A_674 = tpu.vector_load_idx %arg7[%add3A_597, %add3A_673] : memref<512x32xf32, #tpu.memory_space<vmem>>[vector<16xi32>, vector<16xi32>], vector<16xf32>,
          %add3A_675 = arith.constant 16 : i32
          %add3A_676 = vector.broadcast %add3A_675 : i32 to vector<16xi32>
          %add3A_677 = arith.addi %and3A_145, %add3A_676 : vector<16xi32>
          %gather3A_678 = tpu.vector_load_idx %arg7[%add3A_597, %add3A_677] : memref<512x32xf32, #tpu.memory_space<vmem>>[vector<16xi32>, vector<16xi32>], vector<16xf32>,
          %add3A_679 = vector.broadcast %add3A_646 : i32 to vector<16xi32>
          %add3A_680 = arith.addi %add3A_19, %add3A_679 : vector<16xi32>
          tpu.vector_store_idx %arg9[%add3A_680], %gather3A_650 : memref<16384xf32, #tpu.memory_space<vmem>>[vector<16xi32>], vector<16xf32>,
          %add3A_681 = vector.broadcast %add3A_646 : i32 to vector<16xi32>
          %add3A_682 = arith.addi %add3A_39, %add3A_681 : vector<16xi32>
          tpu.vector_store_idx %arg9[%add3A_682], %gather3A_654 : memref<16384xf32, #tpu.memory_space<vmem>>[vector<16xi32>], vector<16xf32>,
          %add3A_683 = vector.broadcast %add3A_646 : i32 to vector<16xi32>
          %add3A_684 = arith.addi %add3A_59, %add3A_683 : vector<16xi32>
          tpu.vector_store_idx %arg9[%add3A_684], %gather3A_658 : memref<16384xf32, #tpu.memory_space<vmem>>[vector<16xi32>], vector<16xf32>,
          %add3A_685 = vector.broadcast %add3A_646 : i32 to vector<16xi32>
          %add3A_686 = arith.addi %add3A_79, %add3A_685 : vector<16xi32>
          tpu.vector_store_idx %arg9[%add3A_686], %gather3A_662 : memref<16384xf32, #tpu.memory_space<vmem>>[vector<16xi32>], vector<16xf32>,
          %add3A_687 = vector.broadcast %add3A_646 : i32 to vector<16xi32>
          %add3A_688 = arith.addi %add3A_99, %add3A_687 : vector<16xi32>
          tpu.vector_store_idx %arg9[%add3A_688], %gather3A_666 : memref<16384xf32, #tpu.memory_space<vmem>>[vector<16xi32>], vector<16xf32>,
          %add3A_689 = vector.broadcast %add3A_646 : i32 to vector<16xi32>
          %add3A_690 = arith.addi %add3A_119, %add3A_689 : vector<16xi32>
          tpu.vector_store_idx %arg9[%add3A_690], %gather3A_670 : memref<16384xf32, #tpu.memory_space<vmem>>[vector<16xi32>], vector<16xf32>,
          %add3A_691 = vector.broadcast %add3A_646 : i32 to vector<16xi32>
          %add3A_692 = arith.addi %add3A_139, %add3A_691 : vector<16xi32>
          tpu.vector_store_idx %arg9[%add3A_692], %gather3A_674 : memref<16384xf32, #tpu.memory_space<vmem>>[vector<16xi32>], vector<16xf32>,
          %add3A_693 = vector.broadcast %add3A_646 : i32 to vector<16xi32>
          %add3A_694 = arith.addi %add3A_159, %add3A_693 : vector<16xi32>
          tpu.vector_store_idx %arg9[%add3A_694], %gather3A_678 : memref<16384xf32, #tpu.memory_space<vmem>>[vector<16xi32>], vector<16xf32>,
          %add3A_695 = arith.constant 16 : i32
          %add3A_696 = vector.broadcast %add3A_695 : i32 to vector<16xi32>
          %add3A_697 = arith.addi %and3A_165, %add3A_696 : vector<16xi32>
          %gather3A_698 = tpu.vector_load_idx %arg7[%add3A_597, %add3A_697] : memref<512x32xf32, #tpu.memory_space<vmem>>[vector<16xi32>, vector<16xi32>], vector<16xf32>,
          %add3A_699 = arith.constant 16 : i32
          %add3A_700 = vector.broadcast %add3A_699 : i32 to vector<16xi32>
          %add3A_701 = arith.addi %and3A_185, %add3A_700 : vector<16xi32>
          %gather3A_702 = tpu.vector_load_idx %arg7[%add3A_597, %add3A_701] : memref<512x32xf32, #tpu.memory_space<vmem>>[vector<16xi32>, vector<16xi32>], vector<16xf32>,
          %add3A_703 = arith.constant 16 : i32
          %add3A_704 = vector.broadcast %add3A_703 : i32 to vector<16xi32>
          %add3A_705 = arith.addi %and3A_205, %add3A_704 : vector<16xi32>
          %gather3A_706 = tpu.vector_load_idx %arg7[%add3A_597, %add3A_705] : memref<512x32xf32, #tpu.memory_space<vmem>>[vector<16xi32>, vector<16xi32>], vector<16xf32>,
          %add3A_707 = arith.constant 16 : i32
          %add3A_708 = vector.broadcast %add3A_707 : i32 to vector<16xi32>
          %add3A_709 = arith.addi %and3A_225, %add3A_708 : vector<16xi32>
          %gather3A_710 = tpu.vector_load_idx %arg7[%add3A_597, %add3A_709] : memref<512x32xf32, #tpu.memory_space<vmem>>[vector<16xi32>, vector<16xi32>], vector<16xf32>,
          %add3A_711 = arith.constant 16 : i32
          %add3A_712 = vector.broadcast %add3A_711 : i32 to vector<16xi32>
          %add3A_713 = arith.addi %and3A_245, %add3A_712 : vector<16xi32>
          %gather3A_714 = tpu.vector_load_idx %arg7[%add3A_597, %add3A_713] : memref<512x32xf32, #tpu.memory_space<vmem>>[vector<16xi32>, vector<16xi32>], vector<16xf32>,
          %add3A_715 = arith.constant 16 : i32
          %add3A_716 = vector.broadcast %add3A_715 : i32 to vector<16xi32>
          %add3A_717 = arith.addi %and3A_265, %add3A_716 : vector<16xi32>
          %gather3A_718 = tpu.vector_load_idx %arg7[%add3A_597, %add3A_717] : memref<512x32xf32, #tpu.memory_space<vmem>>[vector<16xi32>, vector<16xi32>], vector<16xf32>,
          %add3A_719 = arith.constant 16 : i32
          %add3A_720 = vector.broadcast %add3A_719 : i32 to vector<16xi32>
          %add3A_721 = arith.addi %and3A_285, %add3A_720 : vector<16xi32>
          %gather3A_722 = tpu.vector_load_idx %arg7[%add3A_597, %add3A_721] : memref<512x32xf32, #tpu.memory_space<vmem>>[vector<16xi32>, vector<16xi32>], vector<16xf32>,
          %add3A_723 = arith.constant 16 : i32
          %add3A_724 = vector.broadcast %add3A_723 : i32 to vector<16xi32>
          %add3A_725 = arith.addi %and3A_305, %add3A_724 : vector<16xi32>
          %gather3A_726 = tpu.vector_load_idx %arg7[%add3A_597, %add3A_725] : memref<512x32xf32, #tpu.memory_space<vmem>>[vector<16xi32>, vector<16xi32>], vector<16xf32>,
          %add3A_727 = vector.broadcast %add3A_646 : i32 to vector<16xi32>
          %add3A_728 = arith.addi %add3A_179, %add3A_727 : vector<16xi32>
          tpu.vector_store_idx %arg9[%add3A_728], %gather3A_698 : memref<16384xf32, #tpu.memory_space<vmem>>[vector<16xi32>], vector<16xf32>,
          %add3A_729 = vector.broadcast %add3A_646 : i32 to vector<16xi32>
          %add3A_730 = arith.addi %add3A_199, %add3A_729 : vector<16xi32>
          tpu.vector_store_idx %arg9[%add3A_730], %gather3A_702 : memref<16384xf32, #tpu.memory_space<vmem>>[vector<16xi32>], vector<16xf32>,
          %add3A_731 = vector.broadcast %add3A_646 : i32 to vector<16xi32>
          %add3A_732 = arith.addi %add3A_219, %add3A_731 : vector<16xi32>
          tpu.vector_store_idx %arg9[%add3A_732], %gather3A_706 : memref<16384xf32, #tpu.memory_space<vmem>>[vector<16xi32>], vector<16xf32>,
          %add3A_733 = vector.broadcast %add3A_646 : i32 to vector<16xi32>
          %add3A_734 = arith.addi %add3A_239, %add3A_733 : vector<16xi32>
          tpu.vector_store_idx %arg9[%add3A_734], %gather3A_710 : memref<16384xf32, #tpu.memory_space<vmem>>[vector<16xi32>], vector<16xf32>,
          %add3A_735 = vector.broadcast %add3A_646 : i32 to vector<16xi32>
          %add3A_736 = arith.addi %add3A_259, %add3A_735 : vector<16xi32>
          tpu.vector_store_idx %arg9[%add3A_736], %gather3A_714 : memref<16384xf32, #tpu.memory_space<vmem>>[vector<16xi32>], vector<16xf32>,
          %add3A_737 = vector.broadcast %add3A_646 : i32 to vector<16xi32>
          %add3A_738 = arith.addi %add3A_279, %add3A_737 : vector<16xi32>
          tpu.vector_store_idx %arg9[%add3A_738], %gather3A_718 : memref<16384xf32, #tpu.memory_space<vmem>>[vector<16xi32>], vector<16xf32>,
          %add3A_739 = vector.broadcast %add3A_646 : i32 to vector<16xi32>
          %add3A_740 = arith.addi %add3A_299, %add3A_739 : vector<16xi32>
          tpu.vector_store_idx %arg9[%add3A_740], %gather3A_722 : memref<16384xf32, #tpu.memory_space<vmem>>[vector<16xi32>], vector<16xf32>,
          %add3A_741 = vector.broadcast %add3A_646 : i32 to vector<16xi32>
          %add3A_742 = arith.addi %add3A_319, %add3A_741 : vector<16xi32>
          tpu.vector_store_idx %arg9[%add3A_742], %gather3A_726 : memref<16384xf32, #tpu.memory_space<vmem>>[vector<16xi32>], vector<16xf32>,
        }
        %scan3A_580 = arith.constant 8 : i32
      }
      %scan3A_455 = arith.constant 4 : i32
      %mul3A_456 = arith.constant 512 : i32
      %mul3A_457 = arith.muli %add3A_431, %mul3A_456 : i32
      %mul3A_458 = arith.constant 4 : i32
      %mul3A_459 = arith.muli %add3A, %mul3A_458 : i32
      %add3A_460 = arith.addi %mul3A_457, %mul3A_459 : i32
      %add3A_461 = arith.constant 0 : i32
      %add3A_462 = arith.addi %add3A_460, %add3A_461 : i32
      %mul3A_463 = arith.constant 1024 : i32
      %mul3A_464 = arith.muli %add3A_462, %mul3A_463 : i32
      %dma_start3A_465 = arith.constant 0 : i32
      %dma_start3A_466 = tpu.memref_slice %arg9[%dma_start3A_465] : memref<16384xf32, #tpu.memory_space<vmem>> -> memref<4096xf32, #tpu.memory_space<vmem>>
      %dma_start3A_467 = tpu.memref_slice %arg4[%mul3A_464] : memref<26214400xf32, #tpu.memory_space<hbm>> -> memref<4096xf32, #tpu.memory_space<hbm>>
      %dma_start3A_468 = tpu.memref_slice %arg4[%mul3A_464] : memref<26214400xf32, #tpu.memory_space<hbm>> -> memref<4096xf32, #tpu.memory_space<hbm>>
      %dma_start3A_469 = arith.constant 0 : i32
      %dma_start3A_470 = tpu.memref_slice %arg9[%dma_start3A_469] : memref<16384xf32, #tpu.memory_space<vmem>> -> memref<4096xf32, #tpu.memory_space<vmem>>
      tpu.enqueue_dma source(%dma_start3A_470 : memref<4096xf32, #tpu.memory_space<vmem>>) target(%dma_start3A_468 : memref<4096xf32, #tpu.memory_space<hbm>>) target_semaphore(%arg13 : memref<!tpu.dma_semaphore, #tpu.memory_space<semaphore_mem>>)
      %add3A_471 = arith.constant 128 : i32
      %add3A_472 = arith.addi %add3A_460, %add3A_471 : i32
      %mul3A_473 = arith.constant 1024 : i32
      %mul3A_474 = arith.muli %add3A_472, %mul3A_473 : i32
      %dma_start3A_475 = arith.constant 4096 : i32
      %dma_start3A_476 = tpu.memref_slice %arg9[%dma_start3A_475] : memref<16384xf32, #tpu.memory_space<vmem>> -> memref<4096xf32, #tpu.memory_space<vmem>>
      %dma_start3A_477 = tpu.memref_slice %arg4[%mul3A_474] : memref<26214400xf32, #tpu.memory_space<hbm>> -> memref<4096xf32, #tpu.memory_space<hbm>>
      %dma_start3A_478 = tpu.memref_slice %arg4[%mul3A_474] : memref<26214400xf32, #tpu.memory_space<hbm>> -> memref<4096xf32, #tpu.memory_space<hbm>>
      %dma_start3A_479 = arith.constant 4096 : i32
      %dma_start3A_480 = tpu.memref_slice %arg9[%dma_start3A_479] : memref<16384xf32, #tpu.memory_space<vmem>> -> memref<4096xf32, #tpu.memory_space<vmem>>
      tpu.enqueue_dma source(%dma_start3A_480 : memref<4096xf32, #tpu.memory_space<vmem>>) target(%dma_start3A_478 : memref<4096xf32, #tpu.memory_space<hbm>>) target_semaphore(%arg13 : memref<!tpu.dma_semaphore, #tpu.memory_space<semaphore_mem>>)
      %add3A_481 = arith.constant 256 : i32
      %add3A_482 = arith.addi %add3A_460, %add3A_481 : i32
      %mul3A_483 = arith.constant 1024 : i32
      %mul3A_484 = arith.muli %add3A_482, %mul3A_483 : i32
      %dma_start3A_485 = arith.constant 8192 : i32
      %dma_start3A_486 = tpu.memref_slice %arg9[%dma_start3A_485] : memref<16384xf32, #tpu.memory_space<vmem>> -> memref<4096xf32, #tpu.memory_space<vmem>>
      %dma_start3A_487 = tpu.memref_slice %arg4[%mul3A_484] : memref<26214400xf32, #tpu.memory_space<hbm>> -> memref<4096xf32, #tpu.memory_space<hbm>>
      %dma_start3A_488 = tpu.memref_slice %arg4[%mul3A_484] : memref<26214400xf32, #tpu.memory_space<hbm>> -> memref<4096xf32, #tpu.memory_space<hbm>>
      %dma_start3A_489 = arith.constant 8192 : i32
      %dma_start3A_490 = tpu.memref_slice %arg9[%dma_start3A_489] : memref<16384xf32, #tpu.memory_space<vmem>> -> memref<4096xf32, #tpu.memory_space<vmem>>
      tpu.enqueue_dma source(%dma_start3A_490 : memref<4096xf32, #tpu.memory_space<vmem>>) target(%dma_start3A_488 : memref<4096xf32, #tpu.memory_space<hbm>>) target_semaphore(%arg13 : memref<!tpu.dma_semaphore, #tpu.memory_space<semaphore_mem>>)
      %add3A_491 = arith.constant 384 : i32
      %add3A_492 = arith.addi %add3A_460, %add3A_491 : i32
      %mul3A_493 = arith.constant 1024 : i32
      %mul3A_494 = arith.muli %add3A_492, %mul3A_493 : i32
      %dma_start3A_495 = arith.constant 12288 : i32
      %dma_start3A_496 = tpu.memref_slice %arg9[%dma_start3A_495] : memref<16384xf32, #tpu.memory_space<vmem>> -> memref<4096xf32, #tpu.memory_space<vmem>>
      %dma_start3A_497 = tpu.memref_slice %arg4[%mul3A_494] : memref<26214400xf32, #tpu.memory_space<hbm>> -> memref<4096xf32, #tpu.memory_space<hbm>>
      %dma_start3A_498 = tpu.memref_slice %arg4[%mul3A_494] : memref<26214400xf32, #tpu.memory_space<hbm>> -> memref<4096xf32, #tpu.memory_space<hbm>>
      %dma_start3A_499 = arith.constant 12288 : i32
      %dma_start3A_500 = tpu.memref_slice %arg9[%dma_start3A_499] : memref<16384xf32, #tpu.memory_space<vmem>> -> memref<4096xf32, #tpu.memory_space<vmem>>
      tpu.enqueue_dma source(%dma_start3A_500 : memref<4096xf32, #tpu.memory_space<vmem>>) target(%dma_start3A_498 : memref<4096xf32, #tpu.memory_space<hbm>>) target_semaphore(%arg13 : memref<!tpu.dma_semaphore, #tpu.memory_space<semaphore_mem>>)
      %add3A_501 = arith.constant 1 : i32
      %add3A_502 = arith.addi %add3A_429, %add3A_501 : i32
      %dma_wait3A_503 = arith.constant 0 : i32
      %dma_wait3A_504 = arith.constant 0 : i32
      %dma_wait3A_505 = tpu.memref_slice %arg3[%dma_wait3A_503, %dma_wait3A_504] : memref<1000000x32xf32, #tpu.memory_space<hbm>> -> memref<1000000x32xf32, #tpu.memory_space<hbm>>
      tpu.wait_indirect_dma semaphore(%arg12 : memref<!tpu.dma_semaphore, #tpu.memory_space<semaphore_mem>>) src(%dma_wait3A_505 : memref<1000000x32xf32, #tpu.memory_space<hbm>>) dst(%arg8 : memref<512x32xf32, #tpu.memory_space<vmem>>)
      %lt3A_506 = arith.constant 47 : i32
      %lt3A_507 = arith.cmpi slt, %add3A_429, %lt3A_506 : i32
      %convert_element_type3A_508 = arith.extui %lt3A_507 : i1 to i32
      %cond3A_509 = arith.constant 0 : i32
      %cond3A_510 = arith.cmpi ne, %convert_element_type3A_508, %cond3A_509 : i32
      scf.if %cond3A_510 {
        %add3A_571 = arith.constant 2 : i32
        %add3A_572 = arith.addi %add3A_502, %add3A_571 : i32
        %mul3A_573 = arith.constant 16384 : i32
        %mul3A_574 = arith.muli %add3A_572, %mul3A_573 : i32
        %add3A_575 = arith.addi %mul3A_574, %mul3A_2 : i32
        %dma_start3A_576 = tpu.memref_slice %arg2[%add3A_575] : memref<819200xi32, #tpu.memory_space<hbm>> -> memref<512xi32, #tpu.memory_space<hbm>>
        %dma_start3A_577 = tpu.memref_slice %arg2[%add3A_575] : memref<819200xi32, #tpu.memory_space<hbm>> -> memref<512xi32, #tpu.memory_space<hbm>>
        tpu.enqueue_dma source(%dma_start3A_577 : memref<512xi32, #tpu.memory_space<hbm>>) target(%arg6 : memref<512xi32, #tpu.memory_space<vmem>>) target_semaphore(%arg16 : memref<!tpu.dma_semaphore, #tpu.memory_space<semaphore_mem>>)
      } else {
      }
      %lt3A_511 = arith.constant 48 : i32
      %lt3A_512 = arith.cmpi slt, %add3A_429, %lt3A_511 : i32
      %convert_element_type3A_513 = arith.extui %lt3A_512 : i1 to i32
      %cond3A_514 = arith.constant 0 : i32
      %cond3A_515 = arith.cmpi ne, %convert_element_type3A_513, %cond3A_514 : i32
      scf.if %cond3A_515 {
        %add3A_571 = arith.constant 1 : i32
        %add3A_572 = arith.addi %add3A_502, %add3A_571 : i32
        %mul3A_573 = arith.constant 16384 : i32
        %mul3A_574 = arith.muli %add3A_572, %mul3A_573 : i32
        %add3A_575 = arith.addi %mul3A_574, %mul3A_2 : i32
        %dma_wait3A_576 = tpu.memref_slice %arg2[%add3A_575] : memref<819200xi32, #tpu.memory_space<hbm>> -> memref<512xi32, #tpu.memory_space<hbm>>
        %dma_wait3A_577 = tpu.memref_slice %arg2[%add3A_575] : memref<819200xi32, #tpu.memory_space<hbm>> -> memref<512xi32, #tpu.memory_space<hbm>>
        tpu.wait_dma2 semaphore(%arg15 : memref<!tpu.dma_semaphore, #tpu.memory_space<semaphore_mem>>) src(%dma_wait3A_577 : memref<512xi32, #tpu.memory_space<hbm>>) dst(%arg5 : memref<512xi32, #tpu.memory_space<vmem>>)
        %dma_start3A_578 = arith.constant 0 : i32
        %dma_start3A_579 = arith.constant 0 : i32
        %dma_start3A_580 = tpu.memref_slice %arg3[%dma_start3A_578, %dma_start3A_579] : memref<1000000x32xf32, #tpu.memory_space<hbm>> -> memref<1000000x32xf32, #tpu.memory_space<hbm>>
        tpu.enqueue_indirect_dma source(%dma_start3A_580 : memref<1000000x32xf32, #tpu.memory_space<hbm>>) target(%arg7 : memref<512x32xf32, #tpu.memory_space<vmem>>) offsets(%arg5 : memref<512xi32, #tpu.memory_space<vmem>>) semaphore(%arg11 : memref<!tpu.dma_semaphore, #tpu.memory_space<semaphore_mem>>)
      } else {
      }
      %ge3A_516 = arith.constant 1 : i32
      %ge3A_517 = arith.cmpi sge, %add3A_429, %ge3A_516 : i32
      %convert_element_type3A_518 = arith.extui %ge3A_517 : i1 to i32
      %cond3A_519 = arith.constant 0 : i32
      %cond3A_520 = arith.cmpi ne, %convert_element_type3A_518, %cond3A_519 : i32
      scf.if %cond3A_520 {
        %sub3A = arith.constant 2 : i32
        %sub3A_571 = arith.subi %add3A_502, %sub3A : i32
        %mul3A_572 = arith.constant 512 : i32
        %mul3A_573 = arith.muli %sub3A_571, %mul3A_572 : i32
        %mul3A_574 = arith.constant 4 : i32
        %mul3A_575 = arith.muli %add3A, %mul3A_574 : i32
        %add3A_576 = arith.addi %mul3A_573, %mul3A_575 : i32
        %add3A_577 = arith.constant 0 : i32
        %add3A_578 = arith.addi %add3A_576, %add3A_577 : i32
        %mul3A_579 = arith.constant 1024 : i32
        %mul3A_580 = arith.muli %add3A_578, %mul3A_579 : i32
        %dma_wait3A_581 = arith.constant 0 : i32
        %dma_wait3A_582 = tpu.memref_slice %arg10[%dma_wait3A_581] : memref<16384xf32, #tpu.memory_space<vmem>> -> memref<4096xf32, #tpu.memory_space<vmem>>
        %dma_wait3A_583 = tpu.memref_slice %arg4[%mul3A_580] : memref<26214400xf32, #tpu.memory_space<hbm>> -> memref<4096xf32, #tpu.memory_space<hbm>>
        %dma_wait3A_584 = tpu.memref_slice %arg4[%mul3A_580] : memref<26214400xf32, #tpu.memory_space<hbm>> -> memref<4096xf32, #tpu.memory_space<hbm>>
        %dma_wait3A_585 = arith.constant 0 : i32
        %dma_wait3A_586 = tpu.memref_slice %arg10[%dma_wait3A_585] : memref<16384xf32, #tpu.memory_space<vmem>> -> memref<4096xf32, #tpu.memory_space<vmem>>
        tpu.wait_dma2 semaphore(%arg14 : memref<!tpu.dma_semaphore, #tpu.memory_space<semaphore_mem>>) src(%dma_wait3A_586 : memref<4096xf32, #tpu.memory_space<vmem>>) dst(%dma_wait3A_584 : memref<4096xf32, #tpu.memory_space<hbm>>)
        %add3A_587 = arith.constant 128 : i32
        %add3A_588 = arith.addi %add3A_576, %add3A_587 : i32
        %mul3A_589 = arith.constant 1024 : i32
        %mul3A_590 = arith.muli %add3A_588, %mul3A_589 : i32
        %dma_wait3A_591 = arith.constant 4096 : i32
        %dma_wait3A_592 = tpu.memref_slice %arg10[%dma_wait3A_591] : memref<16384xf32, #tpu.memory_space<vmem>> -> memref<4096xf32, #tpu.memory_space<vmem>>
        %dma_wait3A_593 = tpu.memref_slice %arg4[%mul3A_590] : memref<26214400xf32, #tpu.memory_space<hbm>> -> memref<4096xf32, #tpu.memory_space<hbm>>
        %dma_wait3A_594 = tpu.memref_slice %arg4[%mul3A_590] : memref<26214400xf32, #tpu.memory_space<hbm>> -> memref<4096xf32, #tpu.memory_space<hbm>>
        %dma_wait3A_595 = arith.constant 4096 : i32
        %dma_wait3A_596 = tpu.memref_slice %arg10[%dma_wait3A_595] : memref<16384xf32, #tpu.memory_space<vmem>> -> memref<4096xf32, #tpu.memory_space<vmem>>
        tpu.wait_dma2 semaphore(%arg14 : memref<!tpu.dma_semaphore, #tpu.memory_space<semaphore_mem>>) src(%dma_wait3A_596 : memref<4096xf32, #tpu.memory_space<vmem>>) dst(%dma_wait3A_594 : memref<4096xf32, #tpu.memory_space<hbm>>)
        %add3A_597 = arith.constant 256 : i32
        %add3A_598 = arith.addi %add3A_576, %add3A_597 : i32
        %mul3A_599 = arith.constant 1024 : i32
        %mul3A_600 = arith.muli %add3A_598, %mul3A_599 : i32
        %dma_wait3A_601 = arith.constant 8192 : i32
        %dma_wait3A_602 = tpu.memref_slice %arg10[%dma_wait3A_601] : memref<16384xf32, #tpu.memory_space<vmem>> -> memref<4096xf32, #tpu.memory_space<vmem>>
        %dma_wait3A_603 = tpu.memref_slice %arg4[%mul3A_600] : memref<26214400xf32, #tpu.memory_space<hbm>> -> memref<4096xf32, #tpu.memory_space<hbm>>
        %dma_wait3A_604 = tpu.memref_slice %arg4[%mul3A_600] : memref<26214400xf32, #tpu.memory_space<hbm>> -> memref<4096xf32, #tpu.memory_space<hbm>>
        %dma_wait3A_605 = arith.constant 8192 : i32
        %dma_wait3A_606 = tpu.memref_slice %arg10[%dma_wait3A_605] : memref<16384xf32, #tpu.memory_space<vmem>> -> memref<4096xf32, #tpu.memory_space<vmem>>
        tpu.wait_dma2 semaphore(%arg14 : memref<!tpu.dma_semaphore, #tpu.memory_space<semaphore_mem>>) src(%dma_wait3A_606 : memref<4096xf32, #tpu.memory_space<vmem>>) dst(%dma_wait3A_604 : memref<4096xf32, #tpu.memory_space<hbm>>)
        %add3A_607 = arith.constant 384 : i32
        %add3A_608 = arith.addi %add3A_576, %add3A_607 : i32
        %mul3A_609 = arith.constant 1024 : i32
        %mul3A_610 = arith.muli %add3A_608, %mul3A_609 : i32
        %dma_wait3A_611 = arith.constant 12288 : i32
        %dma_wait3A_612 = tpu.memref_slice %arg10[%dma_wait3A_611] : memref<16384xf32, #tpu.memory_space<vmem>> -> memref<4096xf32, #tpu.memory_space<vmem>>
        %dma_wait3A_613 = tpu.memref_slice %arg4[%mul3A_610] : memref<26214400xf32, #tpu.memory_space<hbm>> -> memref<4096xf32, #tpu.memory_space<hbm>>
        %dma_wait3A_614 = tpu.memref_slice %arg4[%mul3A_610] : memref<26214400xf32, #tpu.memory_space<hbm>> -> memref<4096xf32, #tpu.memory_space<hbm>>
        %dma_wait3A_615 = arith.constant 12288 : i32
        %dma_wait3A_616 = tpu.memref_slice %arg10[%dma_wait3A_615] : memref<16384xf32, #tpu.memory_space<vmem>> -> memref<4096xf32, #tpu.memory_space<vmem>>
        tpu.wait_dma2 semaphore(%arg14 : memref<!tpu.dma_semaphore, #tpu.memory_space<semaphore_mem>>) src(%dma_wait3A_616 : memref<4096xf32, #tpu.memory_space<vmem>>) dst(%dma_wait3A_614 : memref<4096xf32, #tpu.memory_space<hbm>>)
      } else {
      }
      %scan3A_521 = arith.constant 0 : i32
      %scan3A_522 = arith.constant 4 : i32
      %scan3A_523 = arith.addi %scan3A_521, %scan3A_522 : i32
      %scan3A_524 = arith.constant 1 : i32
      scf.for %scan3A_571 = %scan3A_521 to %scan3A_523 step %scan3A_524  : i32 {
        %mul3A_572 = arith.constant 1 : i32
        %mul3A_573 = arith.muli %scan3A_571, %mul3A_572 : i32
        %add3A_574 = arith.constant 0 : i32
        %add3A_575 = arith.addi %add3A_574, %mul3A_573 : i32
        %scan3A_576 = arith.constant 0 : i32
        %scan3A_577 = arith.constant 8 : i32
        %scan3A_578 = arith.addi %scan3A_576, %scan3A_577 : i32
        %scan3A_579 = arith.constant 1 : i32
        scf.for %scan3A_581 = %scan3A_576 to %scan3A_578 step %scan3A_579  : i32 {
          %mul3A_582 = arith.constant 1 : i32
          %mul3A_583 = arith.muli %scan3A_581, %mul3A_582 : i32
          %add3A_584 = arith.constant 0 : i32
          %add3A_585 = arith.addi %add3A_584, %mul3A_583 : i32
          %mul3A_586 = arith.constant 128 : i32
          %mul3A_587 = arith.muli %add3A_575, %mul3A_586 : i32
          %mul3A_588 = arith.constant 16 : i32
          %mul3A_589 = arith.muli %add3A_585, %mul3A_588 : i32
          %add3A_590 = arith.addi %mul3A_587, %mul3A_589 : i32
          %shift_left3A_591 = arith.constant 10 : i32
          %shift_left3A_592 = arith.shli %add3A_575, %shift_left3A_591 : i32
          %mul3A_593 = arith.constant 16 : i32
          %mul3A_594 = arith.muli %add3A_585, %mul3A_593 : i32
          %add3A_595 = arith.addi %shift_left3A_592, %mul3A_594 : i32
          %add3A_596 = vector.broadcast %add3A_590 : i32 to vector<16xi32>
          %add3A_597 = arith.addi %add3A_596, %iota3A : vector<16xi32>
          %gather3A = tpu.vector_load_idx %arg8[%add3A_597, %and3A_7] : memref<512x32xf32, #tpu.memory_space<vmem>>[vector<16xi32>, vector<16xi32>], vector<16xf32>,
          %gather3A_598 = tpu.vector_load_idx %arg8[%add3A_597, %and3A_25] : memref<512x32xf32, #tpu.memory_space<vmem>>[vector<16xi32>, vector<16xi32>], vector<16xf32>,
          %gather3A_599 = tpu.vector_load_idx %arg8[%add3A_597, %and3A_45] : memref<512x32xf32, #tpu.memory_space<vmem>>[vector<16xi32>, vector<16xi32>], vector<16xf32>,
          %gather3A_600 = tpu.vector_load_idx %arg8[%add3A_597, %and3A_65] : memref<512x32xf32, #tpu.memory_space<vmem>>[vector<16xi32>, vector<16xi32>], vector<16xf32>,
          %gather3A_601 = tpu.vector_load_idx %arg8[%add3A_597, %and3A_85] : memref<512x32xf32, #tpu.memory_space<vmem>>[vector<16xi32>, vector<16xi32>], vector<16xf32>,
          %gather3A_602 = tpu.vector_load_idx %arg8[%add3A_597, %and3A_105] : memref<512x32xf32, #tpu.memory_space<vmem>>[vector<16xi32>, vector<16xi32>], vector<16xf32>,
          %gather3A_603 = tpu.vector_load_idx %arg8[%add3A_597, %and3A_125] : memref<512x32xf32, #tpu.memory_space<vmem>>[vector<16xi32>, vector<16xi32>], vector<16xf32>,
          %gather3A_604 = tpu.vector_load_idx %arg8[%add3A_597, %and3A_145] : memref<512x32xf32, #tpu.memory_space<vmem>>[vector<16xi32>, vector<16xi32>], vector<16xf32>,
          %add3A_605 = vector.broadcast %add3A_595 : i32 to vector<16xi32>
          %add3A_606 = arith.addi %add3A_19, %add3A_605 : vector<16xi32>
          tpu.vector_store_idx %arg10[%add3A_606], %gather3A : memref<16384xf32, #tpu.memory_space<vmem>>[vector<16xi32>], vector<16xf32>,
          %add3A_607 = vector.broadcast %add3A_595 : i32 to vector<16xi32>
          %add3A_608 = arith.addi %add3A_39, %add3A_607 : vector<16xi32>
          tpu.vector_store_idx %arg10[%add3A_608], %gather3A_598 : memref<16384xf32, #tpu.memory_space<vmem>>[vector<16xi32>], vector<16xf32>,
          %add3A_609 = vector.broadcast %add3A_595 : i32 to vector<16xi32>
          %add3A_610 = arith.addi %add3A_59, %add3A_609 : vector<16xi32>
          tpu.vector_store_idx %arg10[%add3A_610], %gather3A_599 : memref<16384xf32, #tpu.memory_space<vmem>>[vector<16xi32>], vector<16xf32>,
          %add3A_611 = vector.broadcast %add3A_595 : i32 to vector<16xi32>
          %add3A_612 = arith.addi %add3A_79, %add3A_611 : vector<16xi32>
          tpu.vector_store_idx %arg10[%add3A_612], %gather3A_600 : memref<16384xf32, #tpu.memory_space<vmem>>[vector<16xi32>], vector<16xf32>,
          %add3A_613 = vector.broadcast %add3A_595 : i32 to vector<16xi32>
          %add3A_614 = arith.addi %add3A_99, %add3A_613 : vector<16xi32>
          tpu.vector_store_idx %arg10[%add3A_614], %gather3A_601 : memref<16384xf32, #tpu.memory_space<vmem>>[vector<16xi32>], vector<16xf32>,
          %add3A_615 = vector.broadcast %add3A_595 : i32 to vector<16xi32>
          %add3A_616 = arith.addi %add3A_119, %add3A_615 : vector<16xi32>
          tpu.vector_store_idx %arg10[%add3A_616], %gather3A_602 : memref<16384xf32, #tpu.memory_space<vmem>>[vector<16xi32>], vector<16xf32>,
          %add3A_617 = vector.broadcast %add3A_595 : i32 to vector<16xi32>
          %add3A_618 = arith.addi %add3A_139, %add3A_617 : vector<16xi32>
          tpu.vector_store_idx %arg10[%add3A_618], %gather3A_603 : memref<16384xf32, #tpu.memory_space<vmem>>[vector<16xi32>], vector<16xf32>,
          %add3A_619 = vector.broadcast %add3A_595 : i32 to vector<16xi32>
          %add3A_620 = arith.addi %add3A_159, %add3A_619 : vector<16xi32>
          tpu.vector_store_idx %arg10[%add3A_620], %gather3A_604 : memref<16384xf32, #tpu.memory_space<vmem>>[vector<16xi32>], vector<16xf32>,
          %gather3A_621 = tpu.vector_load_idx %arg8[%add3A_597, %and3A_165] : memref<512x32xf32, #tpu.memory_space<vmem>>[vector<16xi32>, vector<16xi32>], vector<16xf32>,
          %gather3A_622 = tpu.vector_load_idx %arg8[%add3A_597, %and3A_185] : memref<512x32xf32, #tpu.memory_space<vmem>>[vector<16xi32>, vector<16xi32>], vector<16xf32>,
          %gather3A_623 = tpu.vector_load_idx %arg8[%add3A_597, %and3A_205] : memref<512x32xf32, #tpu.memory_space<vmem>>[vector<16xi32>, vector<16xi32>], vector<16xf32>,
          %gather3A_624 = tpu.vector_load_idx %arg8[%add3A_597, %and3A_225] : memref<512x32xf32, #tpu.memory_space<vmem>>[vector<16xi32>, vector<16xi32>], vector<16xf32>,
          %gather3A_625 = tpu.vector_load_idx %arg8[%add3A_597, %and3A_245] : memref<512x32xf32, #tpu.memory_space<vmem>>[vector<16xi32>, vector<16xi32>], vector<16xf32>,
          %gather3A_626 = tpu.vector_load_idx %arg8[%add3A_597, %and3A_265] : memref<512x32xf32, #tpu.memory_space<vmem>>[vector<16xi32>, vector<16xi32>], vector<16xf32>,
          %gather3A_627 = tpu.vector_load_idx %arg8[%add3A_597, %and3A_285] : memref<512x32xf32, #tpu.memory_space<vmem>>[vector<16xi32>, vector<16xi32>], vector<16xf32>,
          %gather3A_628 = tpu.vector_load_idx %arg8[%add3A_597, %and3A_305] : memref<512x32xf32, #tpu.memory_space<vmem>>[vector<16xi32>, vector<16xi32>], vector<16xf32>,
          %add3A_629 = vector.broadcast %add3A_595 : i32 to vector<16xi32>
          %add3A_630 = arith.addi %add3A_179, %add3A_629 : vector<16xi32>
          tpu.vector_store_idx %arg10[%add3A_630], %gather3A_621 : memref<16384xf32, #tpu.memory_space<vmem>>[vector<16xi32>], vector<16xf32>,
          %add3A_631 = vector.broadcast %add3A_595 : i32 to vector<16xi32>
          %add3A_632 = arith.addi %add3A_199, %add3A_631 : vector<16xi32>
          tpu.vector_store_idx %arg10[%add3A_632], %gather3A_622 : memref<16384xf32, #tpu.memory_space<vmem>>[vector<16xi32>], vector<16xf32>,
          %add3A_633 = vector.broadcast %add3A_595 : i32 to vector<16xi32>
          %add3A_634 = arith.addi %add3A_219, %add3A_633 : vector<16xi32>
          tpu.vector_store_idx %arg10[%add3A_634], %gather3A_623 : memref<16384xf32, #tpu.memory_space<vmem>>[vector<16xi32>], vector<16xf32>,
          %add3A_635 = vector.broadcast %add3A_595 : i32 to vector<16xi32>
          %add3A_636 = arith.addi %add3A_239, %add3A_635 : vector<16xi32>
          tpu.vector_store_idx %arg10[%add3A_636], %gather3A_624 : memref<16384xf32, #tpu.memory_space<vmem>>[vector<16xi32>], vector<16xf32>,
          %add3A_637 = vector.broadcast %add3A_595 : i32 to vector<16xi32>
          %add3A_638 = arith.addi %add3A_259, %add3A_637 : vector<16xi32>
          tpu.vector_store_idx %arg10[%add3A_638], %gather3A_625 : memref<16384xf32, #tpu.memory_space<vmem>>[vector<16xi32>], vector<16xf32>,
          %add3A_639 = vector.broadcast %add3A_595 : i32 to vector<16xi32>
          %add3A_640 = arith.addi %add3A_279, %add3A_639 : vector<16xi32>
          tpu.vector_store_idx %arg10[%add3A_640], %gather3A_626 : memref<16384xf32, #tpu.memory_space<vmem>>[vector<16xi32>], vector<16xf32>,
          %add3A_641 = vector.broadcast %add3A_595 : i32 to vector<16xi32>
          %add3A_642 = arith.addi %add3A_299, %add3A_641 : vector<16xi32>
          tpu.vector_store_idx %arg10[%add3A_642], %gather3A_627 : memref<16384xf32, #tpu.memory_space<vmem>>[vector<16xi32>], vector<16xf32>,
          %add3A_643 = vector.broadcast %add3A_595 : i32 to vector<16xi32>
          %add3A_644 = arith.addi %add3A_319, %add3A_643 : vector<16xi32>
          tpu.vector_store_idx %arg10[%add3A_644], %gather3A_628 : memref<16384xf32, #tpu.memory_space<vmem>>[vector<16xi32>], vector<16xf32>,
          %add3A_645 = arith.constant 8192 : i32
          %add3A_646 = arith.addi %add3A_595, %add3A_645 : i32
          %add3A_647 = arith.constant 16 : i32
          %add3A_648 = vector.broadcast %add3A_647 : i32 to vector<16xi32>
          %add3A_649 = arith.addi %and3A_7, %add3A_648 : vector<16xi32>
          %gather3A_650 = tpu.vector_load_idx %arg8[%add3A_597, %add3A_649] : memref<512x32xf32, #tpu.memory_space<vmem>>[vector<16xi32>, vector<16xi32>], vector<16xf32>,
          %add3A_651 = arith.constant 16 : i32
          %add3A_652 = vector.broadcast %add3A_651 : i32 to vector<16xi32>
          %add3A_653 = arith.addi %and3A_25, %add3A_652 : vector<16xi32>
          %gather3A_654 = tpu.vector_load_idx %arg8[%add3A_597, %add3A_653] : memref<512x32xf32, #tpu.memory_space<vmem>>[vector<16xi32>, vector<16xi32>], vector<16xf32>,
          %add3A_655 = arith.constant 16 : i32
          %add3A_656 = vector.broadcast %add3A_655 : i32 to vector<16xi32>
          %add3A_657 = arith.addi %and3A_45, %add3A_656 : vector<16xi32>
          %gather3A_658 = tpu.vector_load_idx %arg8[%add3A_597, %add3A_657] : memref<512x32xf32, #tpu.memory_space<vmem>>[vector<16xi32>, vector<16xi32>], vector<16xf32>,
          %add3A_659 = arith.constant 16 : i32
          %add3A_660 = vector.broadcast %add3A_659 : i32 to vector<16xi32>
          %add3A_661 = arith.addi %and3A_65, %add3A_660 : vector<16xi32>
          %gather3A_662 = tpu.vector_load_idx %arg8[%add3A_597, %add3A_661] : memref<512x32xf32, #tpu.memory_space<vmem>>[vector<16xi32>, vector<16xi32>], vector<16xf32>,
          %add3A_663 = arith.constant 16 : i32
          %add3A_664 = vector.broadcast %add3A_663 : i32 to vector<16xi32>
          %add3A_665 = arith.addi %and3A_85, %add3A_664 : vector<16xi32>
          %gather3A_666 = tpu.vector_load_idx %arg8[%add3A_597, %add3A_665] : memref<512x32xf32, #tpu.memory_space<vmem>>[vector<16xi32>, vector<16xi32>], vector<16xf32>,
          %add3A_667 = arith.constant 16 : i32
          %add3A_668 = vector.broadcast %add3A_667 : i32 to vector<16xi32>
          %add3A_669 = arith.addi %and3A_105, %add3A_668 : vector<16xi32>
          %gather3A_670 = tpu.vector_load_idx %arg8[%add3A_597, %add3A_669] : memref<512x32xf32, #tpu.memory_space<vmem>>[vector<16xi32>, vector<16xi32>], vector<16xf32>,
          %add3A_671 = arith.constant 16 : i32
          %add3A_672 = vector.broadcast %add3A_671 : i32 to vector<16xi32>
          %add3A_673 = arith.addi %and3A_125, %add3A_672 : vector<16xi32>
          %gather3A_674 = tpu.vector_load_idx %arg8[%add3A_597, %add3A_673] : memref<512x32xf32, #tpu.memory_space<vmem>>[vector<16xi32>, vector<16xi32>], vector<16xf32>,
          %add3A_675 = arith.constant 16 : i32
          %add3A_676 = vector.broadcast %add3A_675 : i32 to vector<16xi32>
          %add3A_677 = arith.addi %and3A_145, %add3A_676 : vector<16xi32>
          %gather3A_678 = tpu.vector_load_idx %arg8[%add3A_597, %add3A_677] : memref<512x32xf32, #tpu.memory_space<vmem>>[vector<16xi32>, vector<16xi32>], vector<16xf32>,
          %add3A_679 = vector.broadcast %add3A_646 : i32 to vector<16xi32>
          %add3A_680 = arith.addi %add3A_19, %add3A_679 : vector<16xi32>
          tpu.vector_store_idx %arg10[%add3A_680], %gather3A_650 : memref<16384xf32, #tpu.memory_space<vmem>>[vector<16xi32>], vector<16xf32>,
          %add3A_681 = vector.broadcast %add3A_646 : i32 to vector<16xi32>
          %add3A_682 = arith.addi %add3A_39, %add3A_681 : vector<16xi32>
          tpu.vector_store_idx %arg10[%add3A_682], %gather3A_654 : memref<16384xf32, #tpu.memory_space<vmem>>[vector<16xi32>], vector<16xf32>,
          %add3A_683 = vector.broadcast %add3A_646 : i32 to vector<16xi32>
          %add3A_684 = arith.addi %add3A_59, %add3A_683 : vector<16xi32>
          tpu.vector_store_idx %arg10[%add3A_684], %gather3A_658 : memref<16384xf32, #tpu.memory_space<vmem>>[vector<16xi32>], vector<16xf32>,
          %add3A_685 = vector.broadcast %add3A_646 : i32 to vector<16xi32>
          %add3A_686 = arith.addi %add3A_79, %add3A_685 : vector<16xi32>
          tpu.vector_store_idx %arg10[%add3A_686], %gather3A_662 : memref<16384xf32, #tpu.memory_space<vmem>>[vector<16xi32>], vector<16xf32>,
          %add3A_687 = vector.broadcast %add3A_646 : i32 to vector<16xi32>
          %add3A_688 = arith.addi %add3A_99, %add3A_687 : vector<16xi32>
          tpu.vector_store_idx %arg10[%add3A_688], %gather3A_666 : memref<16384xf32, #tpu.memory_space<vmem>>[vector<16xi32>], vector<16xf32>,
          %add3A_689 = vector.broadcast %add3A_646 : i32 to vector<16xi32>
          %add3A_690 = arith.addi %add3A_119, %add3A_689 : vector<16xi32>
          tpu.vector_store_idx %arg10[%add3A_690], %gather3A_670 : memref<16384xf32, #tpu.memory_space<vmem>>[vector<16xi32>], vector<16xf32>,
          %add3A_691 = vector.broadcast %add3A_646 : i32 to vector<16xi32>
          %add3A_692 = arith.addi %add3A_139, %add3A_691 : vector<16xi32>
          tpu.vector_store_idx %arg10[%add3A_692], %gather3A_674 : memref<16384xf32, #tpu.memory_space<vmem>>[vector<16xi32>], vector<16xf32>,
          %add3A_693 = vector.broadcast %add3A_646 : i32 to vector<16xi32>
          %add3A_694 = arith.addi %add3A_159, %add3A_693 : vector<16xi32>
          tpu.vector_store_idx %arg10[%add3A_694], %gather3A_678 : memref<16384xf32, #tpu.memory_space<vmem>>[vector<16xi32>], vector<16xf32>,
          %add3A_695 = arith.constant 16 : i32
          %add3A_696 = vector.broadcast %add3A_695 : i32 to vector<16xi32>
          %add3A_697 = arith.addi %and3A_165, %add3A_696 : vector<16xi32>
          %gather3A_698 = tpu.vector_load_idx %arg8[%add3A_597, %add3A_697] : memref<512x32xf32, #tpu.memory_space<vmem>>[vector<16xi32>, vector<16xi32>], vector<16xf32>,
          %add3A_699 = arith.constant 16 : i32
          %add3A_700 = vector.broadcast %add3A_699 : i32 to vector<16xi32>
          %add3A_701 = arith.addi %and3A_185, %add3A_700 : vector<16xi32>
          %gather3A_702 = tpu.vector_load_idx %arg8[%add3A_597, %add3A_701] : memref<512x32xf32, #tpu.memory_space<vmem>>[vector<16xi32>, vector<16xi32>], vector<16xf32>,
          %add3A_703 = arith.constant 16 : i32
          %add3A_704 = vector.broadcast %add3A_703 : i32 to vector<16xi32>
          %add3A_705 = arith.addi %and3A_205, %add3A_704 : vector<16xi32>
          %gather3A_706 = tpu.vector_load_idx %arg8[%add3A_597, %add3A_705] : memref<512x32xf32, #tpu.memory_space<vmem>>[vector<16xi32>, vector<16xi32>], vector<16xf32>,
          %add3A_707 = arith.constant 16 : i32
          %add3A_708 = vector.broadcast %add3A_707 : i32 to vector<16xi32>
          %add3A_709 = arith.addi %and3A_225, %add3A_708 : vector<16xi32>
          %gather3A_710 = tpu.vector_load_idx %arg8[%add3A_597, %add3A_709] : memref<512x32xf32, #tpu.memory_space<vmem>>[vector<16xi32>, vector<16xi32>], vector<16xf32>,
          %add3A_711 = arith.constant 16 : i32
          %add3A_712 = vector.broadcast %add3A_711 : i32 to vector<16xi32>
          %add3A_713 = arith.addi %and3A_245, %add3A_712 : vector<16xi32>
          %gather3A_714 = tpu.vector_load_idx %arg8[%add3A_597, %add3A_713] : memref<512x32xf32, #tpu.memory_space<vmem>>[vector<16xi32>, vector<16xi32>], vector<16xf32>,
          %add3A_715 = arith.constant 16 : i32
          %add3A_716 = vector.broadcast %add3A_715 : i32 to vector<16xi32>
          %add3A_717 = arith.addi %and3A_265, %add3A_716 : vector<16xi32>
          %gather3A_718 = tpu.vector_load_idx %arg8[%add3A_597, %add3A_717] : memref<512x32xf32, #tpu.memory_space<vmem>>[vector<16xi32>, vector<16xi32>], vector<16xf32>,
          %add3A_719 = arith.constant 16 : i32
          %add3A_720 = vector.broadcast %add3A_719 : i32 to vector<16xi32>
          %add3A_721 = arith.addi %and3A_285, %add3A_720 : vector<16xi32>
          %gather3A_722 = tpu.vector_load_idx %arg8[%add3A_597, %add3A_721] : memref<512x32xf32, #tpu.memory_space<vmem>>[vector<16xi32>, vector<16xi32>], vector<16xf32>,
          %add3A_723 = arith.constant 16 : i32
          %add3A_724 = vector.broadcast %add3A_723 : i32 to vector<16xi32>
          %add3A_725 = arith.addi %and3A_305, %add3A_724 : vector<16xi32>
          %gather3A_726 = tpu.vector_load_idx %arg8[%add3A_597, %add3A_725] : memref<512x32xf32, #tpu.memory_space<vmem>>[vector<16xi32>, vector<16xi32>], vector<16xf32>,
          %add3A_727 = vector.broadcast %add3A_646 : i32 to vector<16xi32>
          %add3A_728 = arith.addi %add3A_179, %add3A_727 : vector<16xi32>
          tpu.vector_store_idx %arg10[%add3A_728], %gather3A_698 : memref<16384xf32, #tpu.memory_space<vmem>>[vector<16xi32>], vector<16xf32>,
          %add3A_729 = vector.broadcast %add3A_646 : i32 to vector<16xi32>
          %add3A_730 = arith.addi %add3A_199, %add3A_729 : vector<16xi32>
          tpu.vector_store_idx %arg10[%add3A_730], %gather3A_702 : memref<16384xf32, #tpu.memory_space<vmem>>[vector<16xi32>], vector<16xf32>,
          %add3A_731 = vector.broadcast %add3A_646 : i32 to vector<16xi32>
          %add3A_732 = arith.addi %add3A_219, %add3A_731 : vector<16xi32>
          tpu.vector_store_idx %arg10[%add3A_732], %gather3A_706 : memref<16384xf32, #tpu.memory_space<vmem>>[vector<16xi32>], vector<16xf32>,
          %add3A_733 = vector.broadcast %add3A_646 : i32 to vector<16xi32>
          %add3A_734 = arith.addi %add3A_239, %add3A_733 : vector<16xi32>
          tpu.vector_store_idx %arg10[%add3A_734], %gather3A_710 : memref<16384xf32, #tpu.memory_space<vmem>>[vector<16xi32>], vector<16xf32>,
          %add3A_735 = vector.broadcast %add3A_646 : i32 to vector<16xi32>
          %add3A_736 = arith.addi %add3A_259, %add3A_735 : vector<16xi32>
          tpu.vector_store_idx %arg10[%add3A_736], %gather3A_714 : memref<16384xf32, #tpu.memory_space<vmem>>[vector<16xi32>], vector<16xf32>,
          %add3A_737 = vector.broadcast %add3A_646 : i32 to vector<16xi32>
          %add3A_738 = arith.addi %add3A_279, %add3A_737 : vector<16xi32>
          tpu.vector_store_idx %arg10[%add3A_738], %gather3A_718 : memref<16384xf32, #tpu.memory_space<vmem>>[vector<16xi32>], vector<16xf32>,
          %add3A_739 = vector.broadcast %add3A_646 : i32 to vector<16xi32>
          %add3A_740 = arith.addi %add3A_299, %add3A_739 : vector<16xi32>
          tpu.vector_store_idx %arg10[%add3A_740], %gather3A_722 : memref<16384xf32, #tpu.memory_space<vmem>>[vector<16xi32>], vector<16xf32>,
          %add3A_741 = vector.broadcast %add3A_646 : i32 to vector<16xi32>
          %add3A_742 = arith.addi %add3A_319, %add3A_741 : vector<16xi32>
          tpu.vector_store_idx %arg10[%add3A_742], %gather3A_726 : memref<16384xf32, #tpu.memory_space<vmem>>[vector<16xi32>], vector<16xf32>,
        }
        %scan3A_580 = arith.constant 8 : i32
      }
      %scan3A_525 = arith.constant 4 : i32
      %mul3A_526 = arith.constant 512 : i32
      %mul3A_527 = arith.muli %add3A_502, %mul3A_526 : i32
      %mul3A_528 = arith.constant 4 : i32
      %mul3A_529 = arith.muli %add3A, %mul3A_528 : i32
      %add3A_530 = arith.addi %mul3A_527, %mul3A_529 : i32
      %add3A_531 = arith.constant 0 : i32
      %add3A_532 = arith.addi %add3A_530, %add3A_531 : i32
      %mul3A_533 = arith.constant 1024 : i32
      %mul3A_534 = arith.muli %add3A_532, %mul3A_533 : i32
      %dma_start3A_535 = arith.constant 0 : i32
      %dma_start3A_536 = tpu.memref_slice %arg10[%dma_start3A_535] : memref<16384xf32, #tpu.memory_space<vmem>> -> memref<4096xf32, #tpu.memory_space<vmem>>
      %dma_start3A_537 = tpu.memref_slice %arg4[%mul3A_534] : memref<26214400xf32, #tpu.memory_space<hbm>> -> memref<4096xf32, #tpu.memory_space<hbm>>
      %dma_start3A_538 = tpu.memref_slice %arg4[%mul3A_534] : memref<26214400xf32, #tpu.memory_space<hbm>> -> memref<4096xf32, #tpu.memory_space<hbm>>
      %dma_start3A_539 = arith.constant 0 : i32
      %dma_start3A_540 = tpu.memref_slice %arg10[%dma_start3A_539] : memref<16384xf32, #tpu.memory_space<vmem>> -> memref<4096xf32, #tpu.memory_space<vmem>>
      tpu.enqueue_dma source(%dma_start3A_540 : memref<4096xf32, #tpu.memory_space<vmem>>) target(%dma_start3A_538 : memref<4096xf32, #tpu.memory_space<hbm>>) target_semaphore(%arg14 : memref<!tpu.dma_semaphore, #tpu.memory_space<semaphore_mem>>)
      %add3A_541 = arith.constant 128 : i32
      %add3A_542 = arith.addi %add3A_530, %add3A_541 : i32
      %mul3A_543 = arith.constant 1024 : i32
      %mul3A_544 = arith.muli %add3A_542, %mul3A_543 : i32
      %dma_start3A_545 = arith.constant 4096 : i32
      %dma_start3A_546 = tpu.memref_slice %arg10[%dma_start3A_545] : memref<16384xf32, #tpu.memory_space<vmem>> -> memref<4096xf32, #tpu.memory_space<vmem>>
      %dma_start3A_547 = tpu.memref_slice %arg4[%mul3A_544] : memref<26214400xf32, #tpu.memory_space<hbm>> -> memref<4096xf32, #tpu.memory_space<hbm>>
      %dma_start3A_548 = tpu.memref_slice %arg4[%mul3A_544] : memref<26214400xf32, #tpu.memory_space<hbm>> -> memref<4096xf32, #tpu.memory_space<hbm>>
      %dma_start3A_549 = arith.constant 4096 : i32
      %dma_start3A_550 = tpu.memref_slice %arg10[%dma_start3A_549] : memref<16384xf32, #tpu.memory_space<vmem>> -> memref<4096xf32, #tpu.memory_space<vmem>>
      tpu.enqueue_dma source(%dma_start3A_550 : memref<4096xf32, #tpu.memory_space<vmem>>) target(%dma_start3A_548 : memref<4096xf32, #tpu.memory_space<hbm>>) target_semaphore(%arg14 : memref<!tpu.dma_semaphore, #tpu.memory_space<semaphore_mem>>)
      %add3A_551 = arith.constant 256 : i32
      %add3A_552 = arith.addi %add3A_530, %add3A_551 : i32
      %mul3A_553 = arith.constant 1024 : i32
      %mul3A_554 = arith.muli %add3A_552, %mul3A_553 : i32
      %dma_start3A_555 = arith.constant 8192 : i32
      %dma_start3A_556 = tpu.memref_slice %arg10[%dma_start3A_555] : memref<16384xf32, #tpu.memory_space<vmem>> -> memref<4096xf32, #tpu.memory_space<vmem>>
      %dma_start3A_557 = tpu.memref_slice %arg4[%mul3A_554] : memref<26214400xf32, #tpu.memory_space<hbm>> -> memref<4096xf32, #tpu.memory_space<hbm>>
      %dma_start3A_558 = tpu.memref_slice %arg4[%mul3A_554] : memref<26214400xf32, #tpu.memory_space<hbm>> -> memref<4096xf32, #tpu.memory_space<hbm>>
      %dma_start3A_559 = arith.constant 8192 : i32
      %dma_start3A_560 = tpu.memref_slice %arg10[%dma_start3A_559] : memref<16384xf32, #tpu.memory_space<vmem>> -> memref<4096xf32, #tpu.memory_space<vmem>>
      tpu.enqueue_dma source(%dma_start3A_560 : memref<4096xf32, #tpu.memory_space<vmem>>) target(%dma_start3A_558 : memref<4096xf32, #tpu.memory_space<hbm>>) target_semaphore(%arg14 : memref<!tpu.dma_semaphore, #tpu.memory_space<semaphore_mem>>)
      %add3A_561 = arith.constant 384 : i32
      %add3A_562 = arith.addi %add3A_530, %add3A_561 : i32
      %mul3A_563 = arith.constant 1024 : i32
      %mul3A_564 = arith.muli %add3A_562, %mul3A_563 : i32
      %dma_start3A_565 = arith.constant 12288 : i32
      %dma_start3A_566 = tpu.memref_slice %arg10[%dma_start3A_565] : memref<16384xf32, #tpu.memory_space<vmem>> -> memref<4096xf32, #tpu.memory_space<vmem>>
      %dma_start3A_567 = tpu.memref_slice %arg4[%mul3A_564] : memref<26214400xf32, #tpu.memory_space<hbm>> -> memref<4096xf32, #tpu.memory_space<hbm>>
      %dma_start3A_568 = tpu.memref_slice %arg4[%mul3A_564] : memref<26214400xf32, #tpu.memory_space<hbm>> -> memref<4096xf32, #tpu.memory_space<hbm>>
      %dma_start3A_569 = arith.constant 12288 : i32
      %dma_start3A_570 = tpu.memref_slice %arg10[%dma_start3A_569] : memref<16384xf32, #tpu.memory_space<vmem>> -> memref<4096xf32, #tpu.memory_space<vmem>>
      tpu.enqueue_dma source(%dma_start3A_570 : memref<4096xf32, #tpu.memory_space<vmem>>) target(%dma_start3A_568 : memref<4096xf32, #tpu.memory_space<hbm>>) target_semaphore(%arg14 : memref<!tpu.dma_semaphore, #tpu.memory_space<semaphore_mem>>)
    }
    %scan3A_336 = arith.constant 25 : i32
    %mul3A_337 = arith.constant 4 : i32
    %mul3A_338 = arith.muli %add3A, %mul3A_337 : i32
    %add3A_339 = arith.constant 24576 : i32
    %add3A_340 = arith.addi %add3A_339, %mul3A_338 : i32
    %add3A_341 = arith.constant 0 : i32
    %add3A_342 = arith.addi %add3A_340, %add3A_341 : i32
    %mul3A_343 = arith.constant 1024 : i32
    %mul3A_344 = arith.muli %add3A_342, %mul3A_343 : i32
    %dma_wait3A_345 = arith.constant 0 : i32
    %dma_wait3A_346 = tpu.memref_slice %arg9[%dma_wait3A_345] : memref<16384xf32, #tpu.memory_space<vmem>> -> memref<4096xf32, #tpu.memory_space<vmem>>
    %dma_wait3A_347 = tpu.memref_slice %arg4[%mul3A_344] : memref<26214400xf32, #tpu.memory_space<hbm>> -> memref<4096xf32, #tpu.memory_space<hbm>>
    %dma_wait3A_348 = tpu.memref_slice %arg4[%mul3A_344] : memref<26214400xf32, #tpu.memory_space<hbm>> -> memref<4096xf32, #tpu.memory_space<hbm>>
    %dma_wait3A_349 = arith.constant 0 : i32
    %dma_wait3A_350 = tpu.memref_slice %arg9[%dma_wait3A_349] : memref<16384xf32, #tpu.memory_space<vmem>> -> memref<4096xf32, #tpu.memory_space<vmem>>
    tpu.wait_dma2 semaphore(%arg13 : memref<!tpu.dma_semaphore, #tpu.memory_space<semaphore_mem>>) src(%dma_wait3A_350 : memref<4096xf32, #tpu.memory_space<vmem>>) dst(%dma_wait3A_348 : memref<4096xf32, #tpu.memory_space<hbm>>)
    %add3A_351 = arith.constant 128 : i32
    %add3A_352 = arith.addi %add3A_340, %add3A_351 : i32
    %mul3A_353 = arith.constant 1024 : i32
    %mul3A_354 = arith.muli %add3A_352, %mul3A_353 : i32
    %dma_wait3A_355 = arith.constant 4096 : i32
    %dma_wait3A_356 = tpu.memref_slice %arg9[%dma_wait3A_355] : memref<16384xf32, #tpu.memory_space<vmem>> -> memref<4096xf32, #tpu.memory_space<vmem>>
    %dma_wait3A_357 = tpu.memref_slice %arg4[%mul3A_354] : memref<26214400xf32, #tpu.memory_space<hbm>> -> memref<4096xf32, #tpu.memory_space<hbm>>
    %dma_wait3A_358 = tpu.memref_slice %arg4[%mul3A_354] : memref<26214400xf32, #tpu.memory_space<hbm>> -> memref<4096xf32, #tpu.memory_space<hbm>>
    %dma_wait3A_359 = arith.constant 4096 : i32
    %dma_wait3A_360 = tpu.memref_slice %arg9[%dma_wait3A_359] : memref<16384xf32, #tpu.memory_space<vmem>> -> memref<4096xf32, #tpu.memory_space<vmem>>
    tpu.wait_dma2 semaphore(%arg13 : memref<!tpu.dma_semaphore, #tpu.memory_space<semaphore_mem>>) src(%dma_wait3A_360 : memref<4096xf32, #tpu.memory_space<vmem>>) dst(%dma_wait3A_358 : memref<4096xf32, #tpu.memory_space<hbm>>)
    %add3A_361 = arith.constant 256 : i32
    %add3A_362 = arith.addi %add3A_340, %add3A_361 : i32
    %mul3A_363 = arith.constant 1024 : i32
    %mul3A_364 = arith.muli %add3A_362, %mul3A_363 : i32
    %dma_wait3A_365 = arith.constant 8192 : i32
    %dma_wait3A_366 = tpu.memref_slice %arg9[%dma_wait3A_365] : memref<16384xf32, #tpu.memory_space<vmem>> -> memref<4096xf32, #tpu.memory_space<vmem>>
    %dma_wait3A_367 = tpu.memref_slice %arg4[%mul3A_364] : memref<26214400xf32, #tpu.memory_space<hbm>> -> memref<4096xf32, #tpu.memory_space<hbm>>
    %dma_wait3A_368 = tpu.memref_slice %arg4[%mul3A_364] : memref<26214400xf32, #tpu.memory_space<hbm>> -> memref<4096xf32, #tpu.memory_space<hbm>>
    %dma_wait3A_369 = arith.constant 8192 : i32
    %dma_wait3A_370 = tpu.memref_slice %arg9[%dma_wait3A_369] : memref<16384xf32, #tpu.memory_space<vmem>> -> memref<4096xf32, #tpu.memory_space<vmem>>
    tpu.wait_dma2 semaphore(%arg13 : memref<!tpu.dma_semaphore, #tpu.memory_space<semaphore_mem>>) src(%dma_wait3A_370 : memref<4096xf32, #tpu.memory_space<vmem>>) dst(%dma_wait3A_368 : memref<4096xf32, #tpu.memory_space<hbm>>)
    %add3A_371 = arith.constant 384 : i32
    %add3A_372 = arith.addi %add3A_340, %add3A_371 : i32
    %mul3A_373 = arith.constant 1024 : i32
    %mul3A_374 = arith.muli %add3A_372, %mul3A_373 : i32
    %dma_wait3A_375 = arith.constant 12288 : i32
    %dma_wait3A_376 = tpu.memref_slice %arg9[%dma_wait3A_375] : memref<16384xf32, #tpu.memory_space<vmem>> -> memref<4096xf32, #tpu.memory_space<vmem>>
    %dma_wait3A_377 = tpu.memref_slice %arg4[%mul3A_374] : memref<26214400xf32, #tpu.memory_space<hbm>> -> memref<4096xf32, #tpu.memory_space<hbm>>
    %dma_wait3A_378 = tpu.memref_slice %arg4[%mul3A_374] : memref<26214400xf32, #tpu.memory_space<hbm>> -> memref<4096xf32, #tpu.memory_space<hbm>>
    %dma_wait3A_379 = arith.constant 12288 : i32
    %dma_wait3A_380 = tpu.memref_slice %arg9[%dma_wait3A_379] : memref<16384xf32, #tpu.memory_space<vmem>> -> memref<4096xf32, #tpu.memory_space<vmem>>
    tpu.wait_dma2 semaphore(%arg13 : memref<!tpu.dma_semaphore, #tpu.memory_space<semaphore_mem>>) src(%dma_wait3A_380 : memref<4096xf32, #tpu.memory_space<vmem>>) dst(%dma_wait3A_378 : memref<4096xf32, #tpu.memory_space<hbm>>)
    %mul3A_381 = arith.constant 4 : i32
    %mul3A_382 = arith.muli %add3A, %mul3A_381 : i32
    %add3A_383 = arith.constant 25088 : i32
    %add3A_384 = arith.addi %add3A_383, %mul3A_382 : i32
    %add3A_385 = arith.constant 0 : i32
    %add3A_386 = arith.addi %add3A_384, %add3A_385 : i32
    %mul3A_387 = arith.constant 1024 : i32
    %mul3A_388 = arith.muli %add3A_386, %mul3A_387 : i32
    %dma_wait3A_389 = arith.constant 0 : i32
    %dma_wait3A_390 = tpu.memref_slice %arg10[%dma_wait3A_389] : memref<16384xf32, #tpu.memory_space<vmem>> -> memref<4096xf32, #tpu.memory_space<vmem>>
    %dma_wait3A_391 = tpu.memref_slice %arg4[%mul3A_388] : memref<26214400xf32, #tpu.memory_space<hbm>> -> memref<4096xf32, #tpu.memory_space<hbm>>
    %dma_wait3A_392 = tpu.memref_slice %arg4[%mul3A_388] : memref<26214400xf32, #tpu.memory_space<hbm>> -> memref<4096xf32, #tpu.memory_space<hbm>>
    %dma_wait3A_393 = arith.constant 0 : i32
    %dma_wait3A_394 = tpu.memref_slice %arg10[%dma_wait3A_393] : memref<16384xf32, #tpu.memory_space<vmem>> -> memref<4096xf32, #tpu.memory_space<vmem>>
    tpu.wait_dma2 semaphore(%arg14 : memref<!tpu.dma_semaphore, #tpu.memory_space<semaphore_mem>>) src(%dma_wait3A_394 : memref<4096xf32, #tpu.memory_space<vmem>>) dst(%dma_wait3A_392 : memref<4096xf32, #tpu.memory_space<hbm>>)
    %add3A_395 = arith.constant 128 : i32
    %add3A_396 = arith.addi %add3A_384, %add3A_395 : i32
    %mul3A_397 = arith.constant 1024 : i32
    %mul3A_398 = arith.muli %add3A_396, %mul3A_397 : i32
    %dma_wait3A_399 = arith.constant 4096 : i32
    %dma_wait3A_400 = tpu.memref_slice %arg10[%dma_wait3A_399] : memref<16384xf32, #tpu.memory_space<vmem>> -> memref<4096xf32, #tpu.memory_space<vmem>>
    %dma_wait3A_401 = tpu.memref_slice %arg4[%mul3A_398] : memref<26214400xf32, #tpu.memory_space<hbm>> -> memref<4096xf32, #tpu.memory_space<hbm>>
    %dma_wait3A_402 = tpu.memref_slice %arg4[%mul3A_398] : memref<26214400xf32, #tpu.memory_space<hbm>> -> memref<4096xf32, #tpu.memory_space<hbm>>
    %dma_wait3A_403 = arith.constant 4096 : i32
    %dma_wait3A_404 = tpu.memref_slice %arg10[%dma_wait3A_403] : memref<16384xf32, #tpu.memory_space<vmem>> -> memref<4096xf32, #tpu.memory_space<vmem>>
    tpu.wait_dma2 semaphore(%arg14 : memref<!tpu.dma_semaphore, #tpu.memory_space<semaphore_mem>>) src(%dma_wait3A_404 : memref<4096xf32, #tpu.memory_space<vmem>>) dst(%dma_wait3A_402 : memref<4096xf32, #tpu.memory_space<hbm>>)
    %add3A_405 = arith.constant 256 : i32
    %add3A_406 = arith.addi %add3A_384, %add3A_405 : i32
    %mul3A_407 = arith.constant 1024 : i32
    %mul3A_408 = arith.muli %add3A_406, %mul3A_407 : i32
    %dma_wait3A_409 = arith.constant 8192 : i32
    %dma_wait3A_410 = tpu.memref_slice %arg10[%dma_wait3A_409] : memref<16384xf32, #tpu.memory_space<vmem>> -> memref<4096xf32, #tpu.memory_space<vmem>>
    %dma_wait3A_411 = tpu.memref_slice %arg4[%mul3A_408] : memref<26214400xf32, #tpu.memory_space<hbm>> -> memref<4096xf32, #tpu.memory_space<hbm>>
    %dma_wait3A_412 = tpu.memref_slice %arg4[%mul3A_408] : memref<26214400xf32, #tpu.memory_space<hbm>> -> memref<4096xf32, #tpu.memory_space<hbm>>
    %dma_wait3A_413 = arith.constant 8192 : i32
    %dma_wait3A_414 = tpu.memref_slice %arg10[%dma_wait3A_413] : memref<16384xf32, #tpu.memory_space<vmem>> -> memref<4096xf32, #tpu.memory_space<vmem>>
    tpu.wait_dma2 semaphore(%arg14 : memref<!tpu.dma_semaphore, #tpu.memory_space<semaphore_mem>>) src(%dma_wait3A_414 : memref<4096xf32, #tpu.memory_space<vmem>>) dst(%dma_wait3A_412 : memref<4096xf32, #tpu.memory_space<hbm>>)
    %add3A_415 = arith.constant 384 : i32
    %add3A_416 = arith.addi %add3A_384, %add3A_415 : i32
    %mul3A_417 = arith.constant 1024 : i32
    %mul3A_418 = arith.muli %add3A_416, %mul3A_417 : i32
    %dma_wait3A_419 = arith.constant 12288 : i32
    %dma_wait3A_420 = tpu.memref_slice %arg10[%dma_wait3A_419] : memref<16384xf32, #tpu.memory_space<vmem>> -> memref<4096xf32, #tpu.memory_space<vmem>>
    %dma_wait3A_421 = tpu.memref_slice %arg4[%mul3A_418] : memref<26214400xf32, #tpu.memory_space<hbm>> -> memref<4096xf32, #tpu.memory_space<hbm>>
    %dma_wait3A_422 = tpu.memref_slice %arg4[%mul3A_418] : memref<26214400xf32, #tpu.memory_space<hbm>> -> memref<4096xf32, #tpu.memory_space<hbm>>
    %dma_wait3A_423 = arith.constant 12288 : i32
    %dma_wait3A_424 = tpu.memref_slice %arg10[%dma_wait3A_423] : memref<16384xf32, #tpu.memory_space<vmem>> -> memref<4096xf32, #tpu.memory_space<vmem>>
    tpu.wait_dma2 semaphore(%arg14 : memref<!tpu.dma_semaphore, #tpu.memory_space<semaphore_mem>>) src(%dma_wait3A_424 : memref<4096xf32, #tpu.memory_space<vmem>>) dst(%dma_wait3A_422 : memref<4096xf32, #tpu.memory_space<hbm>>)
    return
  }
}

</mosaic_0001>

<sc_bundles>
// kernel: kernel.3.cloned.1.call-start
scs
__scs_entry_jumppad:
0x0: {  	(pc) =	sbr.rel $0x88, $3  }
0x1: {  	(tag) =	ssettag $0x0;
	lr =	simm.s32 $0x1  }
0x2: {  	[smem:$0x3F9F] =	sst lr;
	_ =	strace $0xD0000000  }
0x3: {  	_ = 	snop  }
0x4: {  	_ = 	snop  }
0x5: {  	_ = 	snop  }
0x6: {  	_ = 	snop  }
0x7: {  	_ = 	snop  }
__scs_overlays_trampoline_lowered:
0x8: {  	[smem:$0x3FAE] =	sst s0  }
0x9: {  	[smem:$0x3FAF] =	sst s1  }
0xa: {  	[smem:$0x3FB0] =	sst s2  }
0xb: {  	[smem:$0x3FB1] =	sst s3  }
0xc: {  	[smem:$0x3FB2] =	sst s4  }
0xd: {  	[smem:$0x3FB3] =	sst s5  }
0xe: {  	[smem:$0x3FB4] =	sst s6  }
0xf: {  	[smem:$0x3FB5] =	sst s7  }
0x10: {  	[smem:$0x3FB6] =	sst s8  }
0x11: {  	[smem:$0x3FB7] =	sst s9;
	s0 =	simm.s32 @!p0 $0x0  }
0x12: {  	s1 =	sld [smem:$0x3F9D];
	s0 =	simm.s32 @p0 $0x1  }
0x13: {  	[smem:$0x3FB8] =	sst s0;
	s0 =	simm.s32 @!p1 $0x0  }
0x14: {  	s2 =	sld [smem:$0x3F9C];
	s0 =	simm.s32 @p1 $0x1  }
0x15: {  	[smem:$0x3FB9] =	sst s0;
	s0 =	simm.s32 @!p2 $0x0  }
0x16: {  	s3 =	sld [smem:$0x3FDB];
	s0 =	simm.s32 @p2 $0x1  }
0x17: {  	s4 =	simm.s32 $0x1BF5;
	[smem:$0x3FBB] =	sst s0  }
0x18: {  	s0 =	sld [smem:$0x3F9E];
	_ =	swait.ge [sflag:s4], $0x0  }
0x19: {  	s7 =	sld [smem:$0x3F9F]  }
0x1a: {  	s8 =	sadd.s32 $0xFFFFE003, lr  }
0x1b: {  	s9 =	sadd.s32 $0xFFFFFEF7, lr;
	s5 =	simm.s32 $0xFFFFFFFF;
	p2 =	slt.u32 s8, $0xFFFFF086  }
0x1c: {  	p1 =	slt.u32 s9, $0xF7A;
	s5 =	simm.s32 @!p2 $0x0  }
0x1d: {  	s5 =	simm.s32 @p1 $0x1;
	p0 =	seq.s32 s7, s2  }
0x1e: {  	s7 =	smul.u32 @!p0 $0xF7A, s2;
	p2 =	seq.s32 @!p0 s5, $0x0  }
0x1f: {  	s9 =	smul.u32 $0xF7A, s1;
	s8 =	simm.s32 @!p0 $0x1BF5;
	p2 =	por !p2, p0  }
0x20: {  	[sflag:s8] =	ssyncset.s32 @!p0 $0xFFFFF086;
	s6 =	sadd.s32 @!p0 s3, s7;
	s7 =	simm.s32 @!p0 $0x108  }
0x21: {  	s3 =	sadd.s32 s3, s9;
	s6 =	sadd.s32 @!p0 $0x88, s6;
	s7 =	simm.s32 @p2 $0x1082  }
0x22: {  	[simem:s7], [sflag:s8] =	dma.local @!p0 [hbm:s6], $0xF7A  }
0x23: {  	s9 =	sor.u32 $0xD0000000, s2;
	s6 =	simm.s32 $0x108;
	_ =	swait.ge @!p0 [sflag:s8], $0x0  }
0x24: {  	s3 =	sadd.s32 $0x88, s3;
	s6 =	simm.s32 @!p1 $0x1082;
	[sflag:s4] =	ssyncset.s32 $0xFFFFF086  }
0x25: {  	[simem:s6], [sflag:s4] =	dma.local [hbm:s3], $0xF7A  }
0x26: {  	[smem:$0x3F9F] =	sst s1;
	(tag) =	ssettag s2;
	_ =	strace s9  }
0x27: {  	s1 =	sld [smem:$0x3FAF]  }
0x28: {  	s2 =	sld [smem:$0x3FB0]  }
0x29: {  	s4 =	sld [smem:$0x3FB2]  }
0x2a: {  	p0 =	seq.s32 s5, $0x0;
	s5 =	sld [smem:$0x3FB3]  }
0x2b: {  	s6 =	sld [smem:$0x3FB4]  }
0x2c: {  	s7 =	sld [smem:$0x3FB5]  }
0x2d: {  	s3 =	simm.s32 $0x108;
	s8 =	sld [smem:$0x3FB6]  }
0x2e: {  	s3 =	simm.s32 @!p0 $0x1082;
	s9 =	sld [smem:$0x3FB7]  }
0x2f: {  	lr =	sadd.s32 s0, s3;
	s0 =	sld [smem:$0x3FAE]  }
0x30: {  	s3 =	sld [smem:$0x3FB1]  }
0x31: {  	[smem:$0x3FBA] =	sst s10  }
0x32: {  	s10 =	sld [smem:$0x3FB8];
	_ =	sdelay $0x3  }
0x33: {  	p0 =	seq.s32 s10, $0x1;
	s10 =	sld [smem:$0x3FBA];
	_ =	sdelay $0x3  }
0x34: {  	[smem:$0x3FBA] =	sst s10  }
0x35: {  	s10 =	sld [smem:$0x3FB9];
	_ =	sdelay $0x3  }
0x36: {  	p1 =	seq.s32 s10, $0x1;
	s10 =	sld [smem:$0x3FBA];
	_ =	sdelay $0x3  }
0x37: {  	[smem:$0x3FBA] =	sst s10  }
0x38: {  	s10 =	sld [smem:$0x3FBB]  }
0x39: {  	_ = 	snop;
	(pc) =	sbr.ind lr, $3  }
0x3a: {  	_ = 	snop  }
0x3b: {  	_ = 	snop  }
0x3c: {  	p2 =	seq.s32 s10, $0x1;
	s10 =	sld [smem:$0x3FBA]  }
0x3d: {  	_ =	shalt  }
0x3e: {  	_ =	shalt  }
0x3f: {  	_ =	shalt  }
0x40: {  	_ =	shalt  }
0x41: {  	_ =	shalt  }
0x42: {  	_ =	shalt  }
0x43: {  	_ =	shalt  }
0x44: {  	_ =	shalt  }
0x45: {  	_ =	shalt  }
0x46: {  	_ =	shalt  }
0x47: {  	_ =	shalt  }
0x48: {  	_ =	shalt  }
0x49: {  	_ =	shalt  }
0x4a: {  	_ =	shalt  }
0x4b: {  	_ =	shalt  }
0x4c: {  	_ =	shalt  }
0x4d: {  	_ =	shalt  }
0x4e: {  	_ =	shalt  }
0x4f: {  	_ =	shalt  }
0x50: {  	_ =	shalt  }
0x51: {  	_ =	shalt  }
0x52: {  	_ =	shalt  }
0x53: {  	_ =	shalt  }
0x54: {  	_ =	shalt  }
0x55: {  	_ =	shalt  }
0x56: {  	_ =	shalt  }
0x57: {  	_ =	shalt  }
0x58: {  	_ =	shalt  }
0x59: {  	_ =	shalt  }
0x5a: {  	_ =	shalt  }
0x5b: {  	_ =	shalt  }
0x5c: {  	_ =	shalt  }
0x5d: {  	_ =	shalt  }
0x5e: {  	_ =	shalt  }
0x5f: {  	_ =	shalt  }
0x60: {  	_ =	shalt  }
0x61: {  	_ =	shalt  }
0x62: {  	_ =	shalt  }
0x63: {  	_ =	shalt  }
0x64: {  	_ =	shalt  }
0x65: {  	_ =	shalt  }
0x66: {  	_ =	shalt  }
0x67: {  	_ =	shalt  }
0x68: {  	_ =	shalt  }
0x69: {  	_ =	shalt  }
0x6a: {  	_ =	shalt  }
0x6b: {  	_ =	shalt  }
0x6c: {  	_ =	shalt  }
0x6d: {  	_ =	shalt  }
0x6e: {  	_ =	shalt  }
0x6f: {  	_ =	shalt  }
0x70: {  	_ =	shalt  }
0x71: {  	_ =	shalt  }
0x72: {  	_ =	shalt  }
0x73: {  	_ =	shalt  }
0x74: {  	_ =	shalt  }
0x75: {  	_ =	shalt  }
0x76: {  	_ =	shalt  }
0x77: {  	_ =	shalt  }
0x78: {  	_ =	shalt  }
0x79: {  	_ =	shalt  }
0x7a: {  	_ =	shalt  }
0x7b: {  	_ =	shalt  }
0x7c: {  	_ =	shalt  }
0x7d: {  	_ =	shalt  }
0x7e: {  	_ =	shalt  }
0x7f: {  	_ =	shalt  }
0x80: {  	_ =	shalt  }
0x81: {  	_ =	shalt  }
0x82: {  	_ =	shalt  }
0x83: {  	_ =	shalt  }
0x84: {  	_ =	shalt  }
0x85: {  	_ =	shalt  }
0x86: {  	_ =	shalt  }
0x87: {  	_ =	shalt  }
.Lfunc_end0:
.L_simem_size_0:
called_computation_lowered:
.L_overlay_start_0:
0x88: {  	s2 =	sld [smem:$0x3FD9]  }
0x89: {  	s3 =	sld [smem:$0x3FFE];
	_ =	sdelay $0x1  }
0x8a: {  	s1 =	srdreg.scid  }
0x8b: {  	s0 =	sand.u32 $0x1, s1  }
0x8c: {  	s17 =	sshll.u32 s0, $0xA;
	s2 =	sadd.s32 s3, s2  }
0x8d: {  	s2 =	sadd.s32 s2, s17  }
0x8e: {  	[smem:$0x3FC6] =	sst s2  }
0x8f: {  	_ = 	snop  }
0x90: {  	s2 =	sld [smem:$0x3FD0];
	(tm) =	ssettm $0x1  }
0x91: {  	s18 =	sld [smem:$0x3FFB];
	_ =	sdelay $0x3  }
0x92: {  	_ =	strace s18  }
0x93: {  	s3 =	sld [smem:$0x3FFC];
	_ =	sdelay $0x3  }
0x94: {  	_ =	strace s3  }
0x95: {  	s3 =	sld [smem:$0x3FFD];
	_ =	sdelay $0x3  }
0x96: {  	_ =	strace s3  }
0x97: {  	_ =	strace $0x8FFFFFFF  }
0x98: {  	s19 =	sld [smem:$0x3FDB];
	_ =	sdelay $0x1  }
0x99: {  	s4 =	simm.s32 $_scs_section_size  }
0x9a: {  	s5 =	simm.s32 $_size__tile_overlayer_lowered;
	s6 =	simm.s32 $_tile_overlayer_lowered  }
0x9b: {  	s22 =	simm.s32 $0x1BFF;
	s21 =	sshll.u32 s6, $0x1;
	s3 =	sadd.s32 s4, s19  }
0x9c: {  	s7 =	simm.s32 $0x0;
	s20 =	sshll.u32 s5, $0x1;
	s5 =	sadd.s32 s21, s3  }
0x9d: {  	[timem:s7], [sflag:s22] =	dma.local [hbm:s5], s20  }
0x9e: {  	_ =	swait.ge [sflag:s22], s20  }
0x9f: {  	s4 =	ssub.s32 $0x0, s20;
	[sflag:s22] =	ssyncset.done $0x0  }
0xa0: {  	[sflag:s22] =	ssyncadd.s32 s4;
	_ =	sdelay $0x1  }
0xa1: {  	s23 =	simm.s32 $0x1B8B  }
0xa2: {  	_ =	swait.ge [sflag:s23], $0x1  }
0xa3: {  	[sflag:s23] =	ssyncset.done $0x0  }
0xa4: {  	s25 =	simm.s32 $0x1B8E;
	s24 =	sld [smem:$0x3FFE];
	[sflag:s23] =	ssyncadd.s32 $0xFFFFFFFF  }
0xa5: {  	s26 =	simm.s32 $execute0_lowered;
	[smem:$0x3FD2] =	sst s25  }
0xa6: {  	s5 =	sshll.u32 s26, $0x1;
	_ =	strace $0x80000046;
	[dreg:$0x1] =	wrdreg $0xFFFFFFFF  }
0xa7: {  	s28 =	simm.s32 $_size_execute0_lowered;
	s3 =	sadd.s32 s3, s5;
	[dreg:$0x0] =	wrdreg $0x0  }
0xa8: {  	s5 =	sshll.u32 s28, $0x1;
	[dreg:$0x2] =	wrdreg s3  }
0xa9: {  	[dreg:$0x3] =	wrdreg s5  }
0xaa: {  	[dreg:$0x4] =	wrdreg $0xC0  }
0xab: {  	_ =	task [dreg:s7], $0x5FFFF  }
0xac: {  	[dreg:$0x1] =	wrdreg $0xFFFFFFFF  }
0xad: {  	[dreg:$0x0] =	wrdreg $0x60  }
0xae: {  	[dreg:$0x2] =	wrdreg s24  }
0xaf: {  	[dreg:$0x3] =	wrdreg s2  }
0xb0: {  	[dreg:$0x4] =	wrdreg $0x9  }
0xb1: {  	_ =	task.clear_ibuf [dreg:s7], $0x5FFFF;
	_ =	strace $0x90000046  }
0xb2: {  	s29 =	simm.s32 $0x9;
	_ =	strace $0x80000048  }
0xb3: {  	_ =	swait.ge [sflag:s29], $0x1  }
0xb4: {  	[sflag:s29] =	ssyncadd.s32 $0xFFFFFFFF  }
0xb5: {  	_ =	strace $0x90000048  }
0xb6: {  	_ =	sfence  }
0xb7: {  	s30 =	sld [smem:$0x0];
	_ =	sdelay $0x2  }
0xb8: {  	s31 =	sshll.u32 s1, $0xD;
	s1 =	sshrl.u32 s1, $0x2  }
0xb9: {  	s3 =	sand.u32 $0x4000, s31;
	s1 =	sadd.s32 s1, s30  }
0xba: {  	s0 =	sor.u32 s3, s0;
	s1 =	sshll.u32 s1, $0x11  }
0xbb: {  	s0 =	sor.u32 s1, s0  }
0xbc: {  	s0 =	sadd.s32 $0x8F2B, s0  }
0xbd: {  	[sflag:s0] =	ssyncadd.remote.s32 $0x1  }
0xbe: {  	_ =	sfence.sel $0xFFFF  }
0xbf: {  	[dreg:$0x0] =	wrdreg $0xFFFFFFFF;
	(pc) =	sbr.abs _section_cstart, $3  }
0xc0: {  	[dreg:$0x1] =	wrdreg $0xFFFFFFFF  }
0xc1: {  	_ =	task.clear_ibuf [dreg:s7], $0x2FFFF;
	_ =	strace $0x9FFFFFFF  }
0xc2: {  	(tm) =	ssettm $0x7FFFFFFF  }
0xc3: {  	_ =	shalt  }
tec
execute0_lowered:
.L_overlay_start_1:
0x0: {  	(tag) =	ssettag $0x1  }
0x1: {  	v0 =	vimm.s32 $0xFEDCBA9  }
0x2: {  	v1 =	vimm.s32 $0x87654321;
	v2 =	vimm.s32 $0x10FEDCBA;
	v3 =	vimm.s32 $0x98765432  }
0x3: {  	v4 =	vimm.s32 $0xA9876543;
	v6 =	vimm.s32 $0x43210FED;
	v7 =	vimm.s32 $0xCBA98765  }
0x4: {  	vm12 =	vcmask $0x300;
	vm13 =	vcmask $0x704;
	vm14 =	vcmask $0xB08  }
0x5: {  	vm7 =	vcmask $0xF0C;
	vm8 =	vcmask $0x1310;
	vm9 =	vcmask $0x1714  }
0x6: {  	vm10 =	vcmask $0x1B18;
	vm11 =	vcmask $0x1F1C;
	vm6 =	vcmask $0x2320  }
0x7: {  	vm5 =	vcmask $0x2724;
	vm4 =	vcmask $0x2B28;
	vm3 =	vcmask $0x2F2C  }
0x8: {  	vm0 =	vcmask $0x3330;
	vm2 =	vcmask $0x3734;
	v11 =	vimm.s32 $0x8F  }
0x9: {  	vm1 =	vcmask $0x3B38;
	v12 =	vimm.s32 $0x10F;
	v13 =	vimm.s32 $0x18F  }
0xa: {  	v14 =	vimm.s32 $0x20F;
	v15 =	vimm.s32 $0x28F;
	v16 =	vimm.s32 $0x30F  }
0xb: {  	v31 =	vimm.s32 $0xFEDCBA98;
	v32 =	vimm.s32 $0x76543210;
	v33 =	vimm.s32 $0x38F  }
0xc: {  	v44 =	vimm.s32 $0x100F;
	v45 =	vimm.s32 $0x130F;
	v46 =	vimm.s32 $0x1C1B1A19  }
0xd: {  	v34 =	vimm.s32 $0x101F1E1D;
	v47 =	vimm.s32 $0x14131211;
	v48 =	vimm.s32 $0x18171615  }
0xe: {  	v35 =	vimm.s32 $0x1D1C1B1A;
	v49 =	vimm.s32 $0x11101F1E;
	v50 =	vimm.s32 $0x15141312  }
0xf: {  	v51 =	vimm.s32 $0x19181716;
	v54 =	vimm.s32 $0x1E1D1C1B;
	v55 =	vimm.s32 $0x1211101F  }
0x10: {  	v56 =	vimm.s32 $0x16151413;
	v57 =	vimm.s32 $0x1A191817;
	v58 =	vimm.s32 $0x1F1E1D1C  }
0x11: {  	v59 =	vimm.s32 $0x13121110;
	v60 =	vimm.s32 $0x17161514;
	v62 =	vimm.s32 $0x1B1A1918  }
0x12: {  	v0 =	vunpack.c.l.s4.s8 v0;
	v1 =	vunpack.c.l.s4.s8 v1;
	v2 =	vunpack.c.l.s4.s8 v2  }
0x13: {  	v3 =	vunpack.c.l.s4.s8 v3;
	v4 =	vunpack.c.l.s4.s8 v4;
	v6 =	vunpack.c.l.s4.s8 v6  }
0x14: {  	v11 =	vsel vm12, $0x100, v11;
	v12 =	vsel vm12, $0x180, v12;
	v13 =	vsel vm12, $0x200, v13  }
0x15: {  	v14 =	vsel vm12, $0x280, v14;
	v15 =	vsel vm12, $0x300, v15;
	v16 =	vsel vm12, $0x380, v16  }
0x16: {  	v31 =	vunpack.c.l.s4.s8 v31;
	v32 =	vunpack.c.l.s4.s8 v32;
	v33 =	vsel vm12, $0x1000, v33  }
0x17: {  	v36 =	vunpack.c.0.s8.s32 v46;
	v37 =	vunpack.c.0.s8.s32 v34;
	v38 =	vunpack.c.0.s8.s32 v47  }
0x18: {  	v39 =	vunpack.c.0.s8.s32 v48;
	v42 =	vunpack.c.0.s8.s32 v35;
	v34 =	vunpack.c.0.s8.s32 v50  }
0x19: {  	v35 =	vunpack.c.0.s8.s32 v51;
	v61 =	vunpack.c.0.s8.s32 v58;
	v63 =	vunpack.c.0.s8.s32 v60  }
0x1a: {  	v11 =	vsel vm13, $0x181, v11;
	v12 =	vsel vm13, $0x201, v12;
	v13 =	vsel vm13, $0x281, v13  }
0x1b: {  	v14 =	vsel vm13, $0x301, v14;
	v15 =	vsel vm13, $0x381, v15;
	v16 =	vsel vm13, $0x1001, v16  }
0x1c: {  	v17 =	vunpack.c.0.s8.s32 v0;
	v18 =	vunpack.c.0.s8.s32 v1;
	v19 =	vunpack.c.0.s8.s32 v2  }
0x1d: {  	v20 =	vunpack.c.0.s8.s32 v3;
	v1 =	vimm.s32 $0x210FEDCB;
	v0 =	vlaneseq.u32  }
0x1e: {  	v22 =	vunpack.c.0.s8.s32 v4;
	v4 =	vimm.s32 $0x3210FEDC;
	v24 =	vunpack.c.0.s8.s32 v6  }
0x1f: {  	v6 =	vimm.s32 $0x6543210F;
	v11 =	vsel vm14, $0x202, v11;
	v12 =	vsel vm14, $0x282, v12  }
0x20: {  	v13 =	vsel vm14, $0x302, v13;
	v14 =	vsel vm14, $0x382, v14;
	v15 =	vsel vm14, $0x1002, v15  }
0x21: {  	v16 =	vsel vm14, $0x1082, v16;
	v31 =	vunpack.c.0.s8.s32 v31;
	v32 =	vunpack.c.0.s8.s32 v32  }
0x22: {  	v5 =	vunpack.c.l.s4.s8 v1;
	v1 =	vmul.u32 $0x20, v0;
	v4 =	vunpack.c.l.s4.s8 v4  }
0x23: {  	v6 =	vunpack.c.l.s4.s8 v6;
	v11 =	vsel vm7, $0x283, v11;
	v12 =	vsel vm7, $0x303, v12  }
0x24: {  	v13 =	vsel vm7, $0x383, v13;
	v14 =	vsel vm7, $0x1003, v14;
	v15 =	vsel vm7, $0x1083, v15  }
0x25: {  	v16 =	vsel vm7, $0x1103, v16;
	v41 =	vor.u32 $0x10, v0;
	v2 =	vcombine.low v18, v17  }
0x26: {  	v3 =	vcombine.low v20, v19;
	v11 =	vsel vm8, $0x304, v11;
	v12 =	vsel vm8, $0x384, v12  }
0x27: {  	v13 =	vsel vm8, $0x1004, v13;
	v14 =	vsel vm8, $0x1084, v14;
	v15 =	vsel vm8, $0x1104, v15  }
0x28: {  	v16 =	vsel vm8, $0x1184, v16;
	v31 =	vand.u32 $0xF, v31;
	v18 =	vcombine.low v17, v18  }
0x29: {  	v19 =	vcombine.low v19, v20;
	v21 =	vunpack.c.0.s8.s32 v5;
	v5 =	vimm.s32 $0xBA987654  }
0x2a: {  	v23 =	vunpack.c.0.s8.s32 v4;
	v4 =	vunpack.c.l.s4.s8 v7;
	v7 =	vimm.s32 $0xEDCBA987  }
0x2b: {  	v28 =	vunpack.c.0.s8.s32 v6;
	v11 =	vsel vm9, $0x385, v11;
	v12 =	vsel vm9, $0x1005, v12  }
0x2c: {  	v13 =	vsel vm9, $0x1085, v13;
	v14 =	vsel vm9, $0x1105, v14;
	v15 =	vsel vm9, $0x1185, v15  }
0x2d: {  	v16 =	vsel vm9, $0x1205, v16;
	v17 =	vcombine.low v31, v32;
	v31 =	vsel vm13, $0x1081, v33  }
0x2e: {  	v32 =	vsel vm12, $0x1080, v44;
	v33 =	vunpack.c.0.s8.s32 v49;
	v2 =	vand.u32 $0xF, v2  }
0x2f: {  	v3 =	vand.u32 $0xF, v3;
	v5 =	vunpack.c.l.s4.s8 v5;
	v7 =	vunpack.c.l.s4.s8 v7  }
0x30: {  	v11 =	vsel vm10, $0x1006, v11;
	v12 =	vsel vm10, $0x1086, v12;
	v13 =	vsel vm10, $0x1106, v13  }
0x31: {  	v14 =	vsel vm10, $0x1186, v14;
	v15 =	vsel vm10, $0x1206, v15;
	v16 =	vsel vm10, $0x1286, v16  }
0x32: {  	v18 =	vand.u32 $0xF, v18;
	v31 =	vsel vm14, $0x1102, v31;
	v19 =	vand.u32 $0xF, v19  }
0x33: {  	v8 =	vcombine.low v22, v21;
	v26 =	vunpack.c.0.s8.s32 v4;
	v11 =	vsel vm11, $0x1087, v11  }
0x34: {  	v12 =	vsel vm11, $0x1107, v12;
	v13 =	vsel vm11, $0x1187, v13;
	v14 =	vsel vm11, $0x1207, v14  }
0x35: {  	v15 =	vsel vm11, $0x1287, v15;
	v16 =	vsel vm11, $0x1307, v16;
	v20 =	vsel vm7, $0x1183, v31  }
0x36: {  	v31 =	vsel vm13, $0x1101, v32;
	v21 =	vcombine.low v21, v22;
	v32 =	vsel vm12, $0x1380, v45  }
0x37: {  	v25 =	vunpack.c.0.s8.s32 v5;
	v5 =	vimm.s32 $0x543210FE;
	v30 =	vunpack.c.0.s8.s32 v7  }
0x38: {  	v11 =	vsel vm6, $0x1108, v11;
	v12 =	vsel vm6, $0x1188, v12;
	v13 =	vsel vm6, $0x1208, v13  }
0x39: {  	v14 =	vsel vm6, $0x1288, v14;
	v15 =	vsel vm6, $0x1308, v15;
	v16 =	vsel vm6, $0x1388, v16  }
0x3a: {  	v20 =	vsel vm8, $0x1204, v20;
	v22 =	vsel vm14, $0x1182, v31;
	v32 =	vsel vm13, $0x1, v32  }
0x3b: {  	v4 =	vunpack.c.l.s4.s8 v5;
	v5 =	vimm.s32 $0xDCBA9876;
	v10 =	vcombine.low v26, v24  }
0x3c: {  	v11 =	vsel vm5, $0x1189, v11;
	v12 =	vsel vm5, $0x1209, v12;
	v13 =	vsel vm5, $0x1289, v13  }
0x3d: {  	v14 =	vsel vm5, $0x1309, v14;
	v15 =	vsel vm5, $0x1389, v15;
	v16 =	vsel vm5, $0x9, v16  }
0x3e: {  	v31 =	vsel vm9, $0x1285, v20;
	v22 =	vsel vm7, $0x1203, v22;
	v20 =	vand.u32 $0xF, v21  }
0x3f: {  	v24 =	vcombine.low v24, v26;
	v32 =	vsel vm14, $0x82, v32;
	v5 =	vunpack.c.l.s4.s8 v5  }
0x40: {  	v9 =	vcombine.low v25, v23;
	v11 =	vsel vm4, $0x120A, v11;
	v12 =	vsel vm4, $0x128A, v12  }
0x41: {  	v13 =	vsel vm4, $0x130A, v13;
	v14 =	vsel vm4, $0x138A, v14;
	v15 =	vsel vm4, $0xA, v15  }
0x42: {  	v16 =	vsel vm4, $0x8A, v16;
	v21 =	vsel vm10, $0x1306, v31;
	v22 =	vsel vm8, $0x1284, v22  }
0x43: {  	v23 =	vcombine.low v23, v25;
	v26 =	vcombine.low v28, v30;
	v31 =	vimm.s32 $0x128F  }
0x44: {  	v32 =	vsel vm7, $0x103, v32;
	v27 =	vunpack.c.0.s8.s32 v4;
	v4 =	vand.u32 $0xF, v8  }
0x45: {  	v6 =	vand.u32 $0xF, v10;
	v8 =	vcombine.low v30, v28;
	v10 =	vimm.s32 $0xF  }
0x46: {  	v11 =	vsel vm3, $0x128B, v11;
	v12 =	vsel vm3, $0x130B, v12;
	v13 =	vsel vm3, $0x138B, v13  }
0x47: {  	v14 =	vsel vm3, $0xB, v14;
	v15 =	vsel vm3, $0x8B, v15;
	v16 =	vsel vm3, $0x10B, v16  }
0x48: {  	v21 =	vsel vm11, $0x1387, v21;
	v22 =	vsel vm9, $0x1305, v22;
	v28 =	vimm.s32 $0x110F  }
0x49: {  	v30 =	vimm.s32 $0x120F;
	v31 =	vsel vm12, $0x1300, v31;
	v32 =	vsel vm8, $0x184, v32  }
0x4a: {  	v29 =	vunpack.c.0.s8.s32 v5;
	v5 =	vand.u32 $0xF, v9;
	v9 =	vimm.s32 $0x138F  }
0x4b: {  	v10 =	vsel vm12, $0x80, v10;
	v11 =	vsel vm0, $0x130C, v11;
	v12 =	vsel vm0, $0x138C, v12  }
0x4c: {  	v13 =	vsel vm0, $0xC, v13;
	v14 =	vsel vm0, $0x8C, v14;
	v15 =	vsel vm0, $0x10C, v15  }
0x4d: {  	v16 =	vsel vm0, $0x18C, v16;
	v25 =	vsel vm6, $0x8, v21;
	v22 =	vsel vm10, $0x1386, v22  }
0x4e: {  	v21 =	vand.u32 $0xF, v23;
	v28 =	vsel vm12, $0x1180, v28;
	v30 =	vsel vm12, $0x1280, v30  }
0x4f: {  	v31 =	vsel vm13, $0x1381, v31;
	v32 =	vsel vm9, $0x205, v32;
	v9 =	vsel vm12, $0x0, v9  }
0x50: {  	v8 =	vand.u32 $0xF, v8;
	v10 =	vsel vm13, $0x101, v10;
	v11 =	vsel vm2, $0x138D, v11  }
0x51: {  	v12 =	vsel vm2, $0xD, v12;
	v13 =	vsel vm2, $0x8D, v13;
	v14 =	vsel vm2, $0x10D, v14  }
0x52: {  	v15 =	vsel vm2, $0x18D, v15;
	v16 =	vsel vm2, $0x20D, v16;
	v23 =	vsel vm5, $0x89, v25  }
0x53: {  	v25 =	vsel vm11, $0x7, v22;
	v22 =	vand.u32 $0xF, v24;
	v28 =	vsel vm13, $0x1201, v28  }
0x54: {  	v30 =	vsel vm13, $0x1301, v30;
	v31 =	vsel vm14, $0x2, v31;
	v32 =	vsel vm10, $0x286, v32  }
0x55: {  	v7 =	vcombine.low v29, v27;
	v9 =	vsel vm13, $0x81, v9;
	v10 =	vsel vm14, $0x182, v10  }
0x56: {  	v11 =	vsel vm1, $0xE, v11;
	v12 =	vsel vm1, $0x8E, v12;
	v13 =	vsel vm1, $0x10E, v13  }
0x57: {  	v14 =	vsel vm1, $0x18E, v14;
	v15 =	vsel vm1, $0x20E, v15;
	v16 =	vsel vm1, $0x28E, v16  }
0x58: {  	v23 =	vsel vm4, $0x10A, v23;
	v24 =	vsel vm6, $0x88, v25;
	v25 =	vcombine.low v27, v29  }
0x59: {  	v29 =	vimm.s32 $0x118F;
	v28 =	vsel vm14, $0x1282, v28;
	v30 =	vsel vm14, $0x1382, v30  }
0x5a: {  	v31 =	vsel vm7, $0x83, v31;
	v32 =	vsel vm11, $0x307, v32;
	v9 =	vsel vm14, $0x102, v9  }
0x5b: {  	v10 =	vsel vm7, $0x203, v10;
	v23 =	vsel vm3, $0x18B, v23;
	v24 =	vsel vm5, $0x109, v24  }
0x5c: {  	v29 =	vsel vm12, $0x1200, v29;
	v28 =	vsel vm7, $0x1303, v28;
	v30 =	vsel vm7, $0x3, v30  }
0x5d: {  	v31 =	vsel vm8, $0x104, v31;
	v32 =	vsel vm6, $0x388, v32;
	v7 =	vand.u32 $0xF, v7  }
0x5e: {  	v9 =	vsel vm7, $0x183, v9;
	v10 =	vsel vm8, $0x284, v10;
	v27 =	vsel vm0, $0x20C, v23  }
0x5f: {  	v24 =	vsel vm4, $0x18A, v24;
	v23 =	vand.u32 $0xF, v25;
	v29 =	vsel vm13, $0x1281, v29  }
0x60: {  	v28 =	vsel vm8, $0x1384, v28;
	v30 =	vsel vm8, $0x84, v30;
	v31 =	vsel vm9, $0x185, v31  }
0x61: {  	v32 =	vsel vm5, $0x1009, v32;
	v9 =	vsel vm8, $0x204, v9;
	v10 =	vsel vm9, $0x305, v10  }
0x62: {  	v25 =	vsel vm2, $0x28D, v27;
	v27 =	vsel vm3, $0x20B, v24;
	v24 =	vand.u32 $0xF, v26  }
0x63: {  	v29 =	vsel vm14, $0x1302, v29;
	v28 =	vsel vm9, $0x5, v28;
	v30 =	vsel vm9, $0x105, v30  }
0x64: {  	v31 =	vsel vm10, $0x206, v31;
	v32 =	vsel vm4, $0x108A, v32;
	v9 =	vsel vm9, $0x285, v9  }
0x65: {  	v10 =	vsel vm10, $0x386, v10;
	v25 =	vsel vm1, $0x30E, v25;
	v26 =	vsel vm0, $0x28C, v27  }
0x66: {  	v27 =	vimm.s32 $0x108F;
	v29 =	vsel vm7, $0x1383, v29;
	v28 =	vsel vm10, $0x86, v28  }
0x67: {  	v30 =	vsel vm10, $0x186, v30;
	v31 =	vsel vm11, $0x287, v31;
	v32 =	vsel vm3, $0x110B, v32  }
0x68: {  	v9 =	vsel vm10, $0x306, v9;
	v10 =	vsel vm11, $0x1007, v10;
	v26 =	vsel vm2, $0x30D, v26  }
0x69: {  	v27 =	vsel vm12, $0x1100, v27;
	v29 =	vsel vm8, $0x4, v29;
	v28 =	vsel vm11, $0x107, v28  }
0x6a: {  	v30 =	vsel vm11, $0x207, v30;
	v31 =	vsel vm6, $0x308, v31;
	v32 =	vsel vm0, $0x118C, v32  }
0x6b: {  	v9 =	vsel vm11, $0x387, v9;
	v10 =	vsel vm6, $0x1088, v10;
	v26 =	vsel vm1, $0x38E, v26  }
0x6c: {  	v27 =	vsel vm13, $0x1181, v27;
	v29 =	vsel vm9, $0x85, v29;
	v28 =	vsel vm6, $0x188, v28  }
0x6d: {  	v30 =	vsel vm6, $0x288, v30;
	v31 =	vsel vm5, $0x389, v31;
	v32 =	vsel vm2, $0x120D, v32  }
0x6e: {  	s0 =	rddreg [dreg:$0x0];
	s2 =	simm.s32 $0x0;
	v9 =	vsel vm6, $0x1008, v9;
	v10 =	vsel vm5, $0x1109, v10;
	v27 =	vsel vm14, $0x1202, v27  }
0x6f: {  	[smem:$0x7FF] =	sst s2;
	v29 =	vsel vm10, $0x106, v29;
	v28 =	vsel vm5, $0x209, v28;
	v30 =	vsel vm5, $0x309, v30  }
0x70: {  	s1 =	rddreg [dreg:$0x1];
	_ =	strace $0x80000047;
	[tilespmem:$0x1FEC0] =	vst v36;
	v31 =	vsel vm4, $0x100A, v31;
	v40 =	vsel vm1, $0x128E, v32;
	v32 =	vunpack.c.0.s8.s32 v54  }
0x71: {  	[tilespmem:$0x1FED0] =	vst v37;
	v9 =	vsel vm5, $0x1089, v9;
	v10 =	vsel vm4, $0x118A, v10;
	v27 =	vsel vm7, $0x1283, v27  }
0x72: {  	[tilespmem:$0x1FEE0] =	vst v38;
	v29 =	vsel vm11, $0x187, v29;
	v28 =	vsel vm4, $0x28A, v28;
	v30 =	vsel vm4, $0x38A, v30  }
0x73: {  	[tilespmem:$0x1FEF0] =	vst v39;
	v31 =	vsel vm3, $0x108B, v31;
	v9 =	vsel vm4, $0x110A, v9;
	v10 =	vsel vm3, $0x120B, v10  }
0x74: {  	[tilespmem:$0x1FF00] =	vst v42;
	v27 =	vsel vm8, $0x1304, v27;
	v29 =	vsel vm6, $0x208, v29;
	v28 =	vsel vm3, $0x30B, v28  }
0x75: {  	[tilespmem:$0x1FF20] =	vst v34;
	v30 =	vsel vm3, $0x100B, v30;
	v31 =	vsel vm0, $0x110C, v31;
	v27 =	vsel vm9, $0x1385, v27  }
0x76: {  	[tilespmem:$0x1FF80] =	vst v32;
	v32 =	vunpack.c.0.s8.s32 v55;
	v9 =	vsel vm3, $0x118B, v9;
	v27 =	vsel vm10, $0x6, v27  }
0x77: {  	[tilespmem:$0x1FF30] =	vst v35;
	v10 =	vsel vm0, $0x128C, v10;
	v29 =	vsel vm5, $0x289, v29;
	v27 =	vsel vm11, $0x87, v27  }
0x78: {  	s3 =	srdreg.scid;
	s5 =	stileid.u32;
	[tilespmem:$0x1FFC0] =	vst v61;
	v28 =	vsel vm0, $0x38C, v28;
	v30 =	vsel vm0, $0x108C, v30;
	v27 =	vsel vm6, $0x108, v27  }
0x79: {  	s16 =	simm.s32 $0x200;
	s17 =	simm.s32 $0x400;
	s18 =	simm.s32 $0x1;
	v31 =	vsel vm2, $0x118D, v31;
	[tilespmem:$0x1FF90] =	vst v32;
	v32 =	vunpack.c.0.s8.s32 v57;
	v27 =	vsel vm5, $0x189, v27  }
0x7a: {  	s19 =	simm.s32 $0x4400;
	s20 =	simm.s32 $0x8400;
	s21 =	simm.s32 $0x6;
	[tilespmem:$0x1FFE0] =	vst v63;
	v9 =	vsel vm0, $0x120C, v9;
	v29 =	vsel vm4, $0x30A, v29;
	v27 =	vsel vm4, $0x20A, v27  }
0x7b: {  	s25 =	simm.s32 $0x2;
	s26 =	simm.s32 $0xC400;
	s29 =	simm.s32 $0xE400;
	v29 =	vsel vm3, $0x38B, v29;
	[tilespmem:$0x1FFB0] =	vst v32;
	v32 =	vunpack.c.0.s8.s32 v62;
	v27 =	vsel vm3, $0x28B, v27  }
0x7c: {  	s30 =	simm.s32 $0xF400;
	s4 =	sadd.s32 $0x600, s0;
	s3 =	sand.u32 $0x1, s3;
	[tilespmem:$0x1FF10] =	vst v33;
	v29 =	vsel vm0, $0x100C, v29;
	v27 =	vsel vm0, $0x30C, v27;
	vm0 =	vcmask $0x1F10  }
0x7d: {  	s5 =	sshll.u32 s5, $0x1;
	s11 =	sadd.s32 $0x4000, s1;
	s12 =	sadd.s32 $0x8000, s1;
	v10 =	vsel vm2, $0x130D, v10;
	v28 =	vsel vm2, $0x100D, v28;
	[tilespmem:$0x1FFF0] =	vst v32;
	v52 =	vsel vm0, v37, v36  }
0x7e: {  	s13 =	sadd.s32 $0xC000, s1;
	s6 =	sor.u32 s3, s5;
	s28 =	ssub.s32 $0x2, s3;
	v30 =	vsel vm2, $0x110D, v30;
	v33 =	vsel vm0, v33, v42;
	v34 =	vsel vm0, v35, v34;
	[tilespmem:$0x1FF40] =	vst v52  }
0x7f: {  	s5 =	sadd.s32 $0xF42A00, s0;
	s31 =	sshll.u32 s6, $0x6;
	s7 =	sshrl.u32 s28, $0x1;
	v53 =	vsel vm0, v39, v38;
	[tilespmem:$0x1FF60] =	vst v33;
	v47 =	vcombine.low v34, v33;
	v33 =	vunpack.c.0.s8.s32 v56  }
0x80: {  	s3 =	sadd.s32 s4, s31;
	s0 =	ssub.s32 s28, s7;
	s7 =	sshll.u32 s6, $0x9;
	v31 =	vsel vm1, $0x120E, v31;
	v9 =	vsel vm2, $0x128D, v9;
	v10 =	vsel vm1, $0x138E, v10;
	[tilespmem:$0x1FF50] =	vst v53  }
0x81: {  	s6 =	simm.s32 $0x0;
	[dreg:$0x3] =	wrdreg s3;
	s3 =	sadd.s32 $0x800, s3;
	v28 =	vsel vm1, $0x108E, v28;
	v30 =	vsel vm1, $0x118E, v30;
	[tilespmem:$0x1FFA0] =	vst v33;
	v33 =	vunpack.c.0.s8.s32 v59  }
0x82: {  	s9 =	sor.u32 $0x8000, s7;
	s0 =	smax.u32 s0, $0x1;
	[dreg:$0x4] =	wrdreg s3;
	v9 =	vsel vm1, $0x130E, v9;
	v29 =	vsel vm2, $0x108D, v29;
	v27 =	vsel vm2, $0x38D, v27;
	[tilespmem:$0x1FF70] =	vst v34  }
0x83: {  	s10 =	sor.u32 $0xC000, s7;
	[dreg:$0x5] =	wrdreg s0;
	s0 =	simm.s32 $0x4;
	v29 =	vsel vm1, $0x110E, v29;
	v27 =	vsel vm1, $0x100E, v27;
	v46 =	vcombine.low v53, v52;
	[tilespmem:$0x1FFD0] =	vst v33  }
.LBB2_1:
0x84: {  	[dreg:$0x6] =	wrdreg s6  }
0x85: {  	s3 =	rddreg [dreg:$0x3];
	s28 =	simm.s32 $0x5  }
0x86: {  	[tilespmem:s2], [sflag:$0x5] =	stream.linear.gather [hbm4b:s3+s2], $0x200, $0x38;
	[tilespmem:$0x10400] =	vst v63  }
0x87: {  	_ =	swait.ge [sflag:s28], $0x200  }
0x88: {  	[sflag:s28] =	ssyncset.done $0x0  }
0x89: {  	[sflag:s28] =	ssyncadd.s32 $0xFFFFFE00  }
0x8a: {  	[tilespmem:s17], [sflag:$0x1] =	stream.indirect.gather [hbm4b:s5+s16], $0x20, s2, s16, $0xb8;
	[tilespmem:$0x10400] =	vst v63  }
0x8b: {  	s8 =	simm.s32 $0x0;
	s31 =	rddreg [dreg:$0x4]  }
0x8c: {  	[tilespmem:s16], [sflag:$0x6] =	stream.linear.gather [hbm4b:s31+s2], $0x200, $0x38;
	[tilespmem:$0x10400] =	vst v63  }
.LBB2_2:
0x8d: {  	p0 =	seq.s32 s8, $0x18  }
0x8e: {  	s14 =	sshll.u32 @!p0 s8, $0xF  }
0x8f: {  	_ =	swait.ge [sflag:s18], $0x4000;
	s3 =	sadd.s32 @!p0 s9, s14  }
0x90: {  	[sflag:s18] =	ssyncset.done $0x0;
	s3 =	sshrl.u32 @!p0 s3, $0x3  }
0x91: {  	s6 =	simm.s32 @!p0 $0x0;
	[sflag:s18] =	ssyncadd.s32 $0xFFFFC000;
	s3 =	sadd.s32 @!p0 s4, s3  }
0x92: {  	[tilespmem:s6], [sflag:$0x5] =	stream.linear.gather @!p0 [hbm4b:s3+s6], $0x200, $0x38;
	[tilespmem:$0x10400] =	vst v63  }
0x93: {  	_ =	swait.ge [sflag:s21], $0x200  }
0x94: {  	p1 =	seq.s32 s8, $0x0;
	[sflag:s21] =	ssyncset.done $0x0  }
0x95: {  	s3 =	simm.s32 @!p1 $0x3;
	[sflag:s21] =	ssyncadd.s32 $0xFFFFFE00  }
0x96: {  	[tilespmem:s19], [sflag:$0x2] =	stream.indirect.gather [hbm4b:s5+s16], $0x20, s16, s16, $0xb8;
	[tilespmem:$0x10400] =	vst v63  }
0x97: {  	_ =	swait.ge @!p1 [sflag:s3], $0x1000  }
0x98: {  	[sflag:s3] =	ssyncset.done @!p1 $0x0  }
0x99: {  	[sflag:s3] =	ssyncadd.s32 @!p1 $0xFFFFF000  }
0x9a: {  	_ =	swait.ge @!p1 [sflag:s3], $0x1000  }
0x9b: {  	[sflag:s3] =	ssyncset.done @!p1 $0x0  }
0x9c: {  	[sflag:s3] =	ssyncadd.s32 @!p1 $0xFFFFF000  }
0x9d: {  	_ =	swait.ge @!p1 [sflag:s3], $0x1000  }
0x9e: {  	[sflag:s3] =	ssyncset.done @!p1 $0x0  }
0x9f: {  	[sflag:s3] =	ssyncadd.s32 @!p1 $0xFFFFF000  }
0xa0: {  	_ =	swait.ge @!p1 [sflag:s3], $0x1000  }
0xa1: {  	s15 =	simm.s32 $0x0;
	[sflag:s3] =	ssyncset.done @!p1 $0x0  }
0xa2: {  	s31 =	simm.s32 $0x0;
	s6 =	simm.s32 $0x0;
	[sflag:s3] =	ssyncadd.s32 @!p1 $0xFFFFF000  }
.LBB2_3:
0xa3: {  	s3 =	sadd.s32 $0x0, s6  }
0xa4: {  	v32 =	vmov s3  }
0xa5: {  	v32 =	vshll.u32 v32, $0x5  }
0xa6: {  	v38 =	vor.u32 v1, v32  }
0xa7: {  	v32 =	vor.u32 v2, v38  }
0xa8: {  	v33 =	vor.u32 v4, v38  }
0xa9: {  	v34 =	vor.u32 v0, v38  }
0xaa: {  	v35 =	vor.u32 v3, v38  }
0xab: {  	v58 =	vld [tilespmem:$0x1FF00];
	v36 =	vor.u32 v5, v38  }
0xac: {  	v37 =	vor.u32 v6, v38;
	v32 =	vld.idx.msk [tilespmem:v32+s17+$0x0], $0xffff  }
0xad: {  	s28 =	sadd.s32 $0x0, s15;
	v39 =	vor.u32 v7, v38;
	v33 =	vld.idx.msk [tilespmem:v33+s17+$0x0], $0xffff  }
0xae: {  	v43 =	vor.u32 s28, v9;
	v42 =	vor.u32 v8, v38;
	v34 =	vld.idx.msk [tilespmem:v34+s17+$0x0], $0xffff  }
0xaf: {  	v44 =	vor.u32 s28, v10;
	v35 =	vld.idx.msk [tilespmem:v35+s17+$0x0], $0xffff  }
0xb0: {  	v45 =	vor.u32 s28, v11;
	v36 =	vld.idx.msk [tilespmem:v36+s17+$0x0], $0xffff  }
0xb1: {  	v48 =	vor.u32 s28, v12;
	v37 =	vld.idx.msk [tilespmem:v37+s17+$0x0], $0xffff  }
0xb2: {  	v49 =	vor.u32 s28, v13;
	v39 =	vld.idx.msk [tilespmem:v39+s17+$0x0], $0xffff  }
0xb3: {  	v42 =	vld.idx.msk [tilespmem:v42+s17+$0x0], $0xffff;
	[tilespmem:v43+s20+$0x0] =	vst.idx.msk $0xffff, v34;
	v43 =	vor.u32 s28, v14  }
0xb4: {  	v59 =	vld [tilespmem:$0x1FF30];
	[tilespmem:v44+s20+$0x0] =	vst.idx.msk $0xffff, v32;
	v44 =	vor.u32 s28, v15  }
0xb5: {  	v60 =	vld [tilespmem:$0x1FF10];
	v50 =	vor.u32 s28, v16;
	[tilespmem:v45+s20+$0x0] =	vst.idx.msk $0xffff, v35  }
0xb6: {  	v61 =	vld [tilespmem:$0x1FF20];
	v51 =	vor.u32 v19, v38;
	[tilespmem:v48+s20+$0x0] =	vst.idx.msk $0xffff, v33  }
0xb7: {  	v62 =	vld [tilespmem:$0x1FF80];
	v52 =	vor.u32 v18, v38;
	[tilespmem:v49+s20+$0x0] =	vst.idx.msk $0xffff, v36  }
0xb8: {  	v63 =	vld [tilespmem:$0x1FF90];
	v53 =	vor.u32 v17, v38;
	[tilespmem:v43+s20+$0x0] =	vst.idx.msk $0xffff, v37  }
0xb9: {  	v54 =	vor.u32 v20, v38;
	v49 =	vld [tilespmem:$0x1FFF0];
	[tilespmem:v44+s20+$0x0] =	vst.idx.msk $0xffff, v39  }
0xba: {  	v55 =	vor.u32 v21, v38;
	v39 =	vld [tilespmem:$0x1FFD0];
	[tilespmem:v50+s20+$0x0] =	vst.idx.msk $0xffff, v42  }
0xbb: {  	v56 =	vor.u32 v22, v38;
	v33 =	vld.idx.msk [tilespmem:v51+s17+$0x0], $0xffff  }
0xbc: {  	v57 =	vor.u32 v24, v38;
	v36 =	vld.idx.msk [tilespmem:v52+s17+$0x0], $0xffff  }
0xbd: {  	v34 =	vld.idx.msk [tilespmem:v53+s17+$0x0], $0xffff  }
0xbe: {  	v32 =	vld.idx.msk [tilespmem:v54+s17+$0x0], $0xffff  }
0xbf: {  	v35 =	vld.idx.msk [tilespmem:v55+s17+$0x0], $0xffff  }
0xc0: {  	v37 =	vld.idx.msk [tilespmem:v56+s17+$0x0], $0xffff  }
0xc1: {  	v50 =	vsel vm0, v58, v59;
	v59 =	vld.idx.msk [tilespmem:v57+s17+$0x0], $0xffff  }
0xc2: {  	v42 =	vor.u32 v23, v38;
	v57 =	vld [tilespmem:$0x1FFB0]  }
0xc3: {  	v56 =	vld [tilespmem:$0x1FFA0]  }
0xc4: {  	v43 =	vor.u32 s28, v25;
	v51 =	vld [tilespmem:$0x1FED0]  }
0xc5: {  	v44 =	vor.u32 s28, v26;
	v53 =	vld [tilespmem:$0x1FEE0]  }
0xc6: {  	v45 =	vor.u32 s28, v27;
	v55 =	vld [tilespmem:$0x1FEC0]  }
0xc7: {  	v48 =	vor.u32 s28, v28;
	v58 =	vsel vm0, v63, v62;
	v42 =	vld.idx.msk [tilespmem:v42+s17+$0x0], $0xffff  }
0xc8: {  	v61 =	vsel vm0, v61, v60;
	[tilespmem:$0x1FE50] =	vst v58;
	v60 =	vsel vm0, v56, v63;
	v63 =	vld [tilespmem:$0x1FEF0]  }
0xc9: {  	v52 =	vor.u32 s28, v29;
	v54 =	vsel vm0, v62, v57;
	[tilespmem:v43+s20+$0x0] =	vst.idx.msk $0xffff, v34;
	v43 =	vld [tilespmem:$0x1FFC0]  }
0xca: {  	v34 =	vor.u32 s28, v30;
	v62 =	vsel vm0, v53, v51;
	v51 =	vsel vm0, v57, v56;
	[tilespmem:v44+s20+$0x0] =	vst.idx.msk $0xffff, v36;
	v44 =	vld [tilespmem:$0x1FFE0]  }
0xcb: {  	v36 =	vor.u32 s28, v31;
	v56 =	vcombine.low v51, v58;
	[tilespmem:v45+s20+$0x0] =	vst.idx.msk $0xffff, v33  }
0xcc: {  	v33 =	vor.u32 s28, v40;
	[tilespmem:v48+s20+$0x0] =	vst.idx.msk $0xffff, v32  }
0xcd: {  	[tilespmem:$0x1FE90] =	vst v54;
	v32 =	vor.u32 v47, v38;
	v48 =	vor.u32 v41, v38;
	v45 =	vor.u32 v56, v38  }
0xce: {  	[tilespmem:v52+s20+$0x0] =	vst.idx.msk $0xffff, v35;
	v63 =	vsel vm0, v55, v63;
	v53 =	vsel vm0, v39, v43  }
0xcf: {  	[tilespmem:v34+s20+$0x0] =	vst.idx.msk $0xffff, v37;
	v55 =	vsel vm0, v49, v44;
	v58 =	vcombine.low v63, v62  }
0xd0: {  	v35 =	vor.u32 v46, v38;
	[tilespmem:v36+s20+$0x0] =	vst.idx.msk $0xffff, v42;
	v57 =	vcombine.low v55, v53  }
0xd1: {  	[tilespmem:v33+s20+$0x0] =	vst.idx.msk $0xffff, v59;
	v59 =	vcombine.low v54, v60;
	v37 =	vor.u32 v58, v38  }
0xd2: {  	[tilespmem:$0x1FE80] =	vst v60;
	v60 =	vcombine.low v50, v61;
	v54 =	vld.idx.msk [tilespmem:v32+s17+$0x0], $0xffff;
	v33 =	vor.u32 v57, v38  }
0xd3: {  	v34 =	vld.idx.msk [tilespmem:v48+s17+$0x0], $0xffff;
	v42 =	vor.u32 v59, v38  }
0xd4: {  	s3 =	sadd.s32 $0x2000, s28;
	v45 =	vld.idx.msk [tilespmem:v45+s17+$0x0], $0xffff;
	v48 =	vor.u32 v60, v38  }
0xd5: {  	v52 =	vor.u32 s3, v9;
	v35 =	vld.idx.msk [tilespmem:v35+s17+$0x0], $0xffff  }
0xd6: {  	v37 =	vld.idx.msk [tilespmem:v37+s17+$0x0], $0xffff  }
0xd7: {  	[tilespmem:$0x1FEB0] =	vst v50;
	v50 =	vld.idx.msk [tilespmem:v33+s17+$0x0], $0xffff  }
0xd8: {  	[tilespmem:$0x1FE70] =	vst v62;
	v42 =	vld.idx.msk [tilespmem:v42+s17+$0x0], $0xffff  }
0xd9: {  	[tilespmem:$0x1FE60] =	vst v63;
	v62 =	vor.u32 s3, v10;
	v48 =	vld.idx.msk [tilespmem:v48+s17+$0x0], $0xffff  }
0xda: {  	v63 =	vor.u32 s3, v11;
	[tilespmem:v52+s20+$0x0] =	vst.idx.msk $0xffff, v34;
	v52 =	vsel vm0, v44, v39;
	v39 =	vsel vm0, v43, v49;
	v43 =	vld [tilespmem:$0x1FF40]  }
0xdb: {  	v33 =	vor.u32 s3, v12;
	v44 =	vld [tilespmem:$0x1FF50]  }
0xdc: {  	v36 =	vor.u32 s3, v13  }
0xdd: {  	[tilespmem:$0x1FEA0] =	vst v61;
	v61 =	vld [tilespmem:$0x1FF70];
	v34 =	vor.u32 s3, v14  }
0xde: {  	v32 =	vld [tilespmem:$0x1FF60];
	[tilespmem:v62+s20+$0x0] =	vst.idx.msk $0xffff, v35;
	v35 =	vor.u32 s3, v15  }
0xdf: {  	[tilespmem:v63+s20+$0x0] =	vst.idx.msk $0xffff, v54;
	v63 =	vcombine.low v39, v52;
	v52 =	vld [tilespmem:$0x1FE50]  }
0xe0: {  	v49 =	vor.u32 s3, v16;
	v62 =	vcombine.low v43, v44;
	[tilespmem:v33+s20+$0x0] =	vst.idx.msk $0xffff, v45  }
0xe1: {  	v33 =	vcombine.low v53, v55;
	v55 =	vor.u32 v63, v38;
	[tilespmem:v36+s20+$0x0] =	vst.idx.msk $0xffff, v50  }
0xe2: {  	v50 =	vld [tilespmem:$0x1FE70];
	[tilespmem:v34+s20+$0x0] =	vst.idx.msk $0xffff, v37  }
0xe3: {  	v54 =	vor.u32 v62, v38;
	[tilespmem:v35+s20+$0x0] =	vst.idx.msk $0xffff, v48;
	v48 =	vld [tilespmem:$0x1FE60]  }
0xe4: {  	v61 =	vcombine.low v32, v61;
	v32 =	vcombine.low v52, v51;
	v51 =	vld [tilespmem:$0x1FE80]  }
0xe5: {  	v52 =	vld [tilespmem:$0x1FE90];
	[tilespmem:v49+s20+$0x0] =	vst.idx.msk $0xffff, v42  }
0xe6: {  	v49 =	vld.idx.msk [tilespmem:v55+s17+$0x0], $0xffff  }
0xe7: {  	v55 =	vld [tilespmem:$0x1FEB0]  }
0xe8: {  	v34 =	vcombine.low v50, v48;
	v48 =	vld.idx.msk [tilespmem:v54+s17+$0x0], $0xffff  }
0xe9: {  	v54 =	vld [tilespmem:$0x1FEA0]  }
0xea: {  	v39 =	vor.u32 v61, v38  }
0xeb: {  	v53 =	vor.u32 v33, v38;
	v35 =	vcombine.low v51, v52  }
0xec: {  	v37 =	vor.u32 v32, v38  }
0xed: {  	v50 =	vor.u32 v35, v38  }
0xee: {  	v45 =	vor.u32 v34, v38;
	v36 =	vcombine.low v54, v55  }
0xef: {  	v39 =	vld.idx.msk [tilespmem:v39+s17+$0x0], $0xffff  }
0xf0: {  	v42 =	vld.idx.msk [tilespmem:v53+s17+$0x0], $0xffff;
	v54 =	vor.u32 v36, v38  }
0xf1: {  	v53 =	vor.u32 s3, v25;
	v44 =	vld.idx.msk [tilespmem:v37+s17+$0x0], $0xffff  }
0xf2: {  	v52 =	vor.u32 s3, v27;
	v43 =	vld.idx.msk [tilespmem:v50+s17+$0x0], $0xffff;
	v38 =	vor.u32 s3, v26  }
0xf3: {  	s22 =	simm.s32 $0x10;
	s23 =	simm.s32 $0x20;
	v51 =	vor.u32 s3, v28;
	v37 =	vor.u32 s3, v30;
	v50 =	vor.u32 s3, v29;
	v45 =	vld.idx.msk [tilespmem:v45+s17+$0x0], $0xffff  }
.LBB2_4:
0xf4: {  	p1 =	sne.s32 s23, $0x70  }
0xf5: {  	s24 =	sadd.s32 s22, s6;
	v54 =	vld.idx.msk [tilespmem:v54+s17+$0x0], $0xffff;
	s28 =	smov.u32 s23;
	s23 =	sadd.s32 $0x10, s23  }
0xf6: {  	v55 =	vmov s24;
	[tilespmem:v53+s20+$0x0] =	vst.idx.msk $0xffff, v49;
	v49 =	vor.u32 s3, v31  }
0xf7: {  	v53 =	vshll.u32 v55, $0x5;
	[tilespmem:v38+s20+$0x0] =	vst.idx.msk $0xffff, v48;
	v48 =	vor.u32 s3, v40  }
0xf8: {  	v38 =	vor.u32 v1, v53;
	[tilespmem:v52+s20+$0x0] =	vst.idx.msk $0xffff, v39  }
0xf9: {  	v39 =	vor.u32 v0, v38;
	v52 =	vor.u32 v2, v38;
	[tilespmem:v51+s20+$0x0] =	vst.idx.msk $0xffff, v44  }
0xfa: {  	v44 =	vor.u32 v4, v38;
	v51 =	vor.u32 v5, v38;
	[tilespmem:v50+s20+$0x0] =	vst.idx.msk $0xffff, v42  }
0xfb: {  	v42 =	vor.u32 v3, v38;
	v50 =	vor.u32 v7, v38;
	[tilespmem:v37+s20+$0x0] =	vst.idx.msk $0xffff, v45  }
0xfc: {  	v45 =	vor.u32 v8, v38;
	[tilespmem:v49+s20+$0x0] =	vst.idx.msk $0xffff, v54  }
0xfd: {  	[tilespmem:v48+s20+$0x0] =	vst.idx.msk $0xffff, v43  }
0xfe: {  	v48 =	vor.u32 v6, v38;
	v43 =	vld.idx.msk [tilespmem:v52+s17+$0x0], $0xffff  }
0xff: {  	v44 =	vld.idx.msk [tilespmem:v44+s17+$0x0], $0xffff  }
0x100: {  	s24 =	sadd.s32 s22, s15;
	s22 =	smov.u32 s28;
	v39 =	vld.idx.msk [tilespmem:v39+s17+$0x0], $0xffff  }
0x101: {  	s3 =	sadd.s32 $0x2000, s24;
	v49 =	vor.u32 s24, v9;
	v42 =	vld.idx.msk [tilespmem:v42+s17+$0x0], $0xffff  }
0x102: {  	v37 =	vor.u32 s3, v30;
	v52 =	vor.u32 s24, v10;
	v51 =	vld.idx.msk [tilespmem:v51+s17+$0x0], $0xffff  }
0x103: {  	v53 =	vor.u32 s24, v11;
	v48 =	vld.idx.msk [tilespmem:v48+s17+$0x0], $0xffff  }
0x104: {  	v54 =	vor.u32 s24, v12;
	v50 =	vld.idx.msk [tilespmem:v50+s17+$0x0], $0xffff  }
0x105: {  	v55 =	vor.u32 s24, v13;
	v45 =	vld.idx.msk [tilespmem:v45+s17+$0x0], $0xffff  }
0x106: {  	[tilespmem:v49+s20+$0x0] =	vst.idx.msk $0xffff, v39;
	v39 =	vor.u32 s24, v14  }
0x107: {  	[tilespmem:v52+s20+$0x0] =	vst.idx.msk $0xffff, v43;
	v43 =	vor.u32 s24, v15  }
0x108: {  	[tilespmem:v53+s20+$0x0] =	vst.idx.msk $0xffff, v42;
	v42 =	vor.u32 s24, v16  }
0x109: {  	[tilespmem:v54+s20+$0x0] =	vst.idx.msk $0xffff, v44;
	v44 =	vor.u32 v19, v38  }
0x10a: {  	v49 =	vor.u32 v18, v38;
	[tilespmem:v55+s20+$0x0] =	vst.idx.msk $0xffff, v51  }
0x10b: {  	[tilespmem:v39+s20+$0x0] =	vst.idx.msk $0xffff, v48;
	v39 =	vor.u32 v17, v38  }
0x10c: {  	[tilespmem:v43+s20+$0x0] =	vst.idx.msk $0xffff, v50;
	v43 =	vor.u32 v20, v38  }
0x10d: {  	[tilespmem:v42+s20+$0x0] =	vst.idx.msk $0xffff, v45;
	v42 =	vor.u32 v21, v38  }
0x10e: {  	v45 =	vor.u32 v22, v38;
	v44 =	vld.idx.msk [tilespmem:v44+s17+$0x0], $0xffff  }
0x10f: {  	v48 =	vld.idx.msk [tilespmem:v49+s17+$0x0], $0xffff;
	v49 =	vor.u32 v24, v38  }
0x110: {  	v50 =	vor.u32 v23, v38;
	v39 =	vld.idx.msk [tilespmem:v39+s17+$0x0], $0xffff  }
0x111: {  	v51 =	vor.u32 s24, v25;
	v43 =	vld.idx.msk [tilespmem:v43+s17+$0x0], $0xffff  }
0x112: {  	v52 =	vor.u32 s24, v26;
	v42 =	vld.idx.msk [tilespmem:v42+s17+$0x0], $0xffff  }
0x113: {  	v53 =	vor.u32 s24, v27;
	v45 =	vld.idx.msk [tilespmem:v45+s17+$0x0], $0xffff  }
0x114: {  	v54 =	vor.u32 s24, v28;
	v49 =	vld.idx.msk [tilespmem:v49+s17+$0x0], $0xffff  }
0x115: {  	v55 =	vor.u32 s24, v29;
	v50 =	vld.idx.msk [tilespmem:v50+s17+$0x0], $0xffff  }
0x116: {  	[tilespmem:v51+s20+$0x0] =	vst.idx.msk $0xffff, v39;
	v39 =	vor.u32 s24, v30  }
0x117: {  	[tilespmem:v52+s20+$0x0] =	vst.idx.msk $0xffff, v48;
	v48 =	vor.u32 s24, v31  }
0x118: {  	[tilespmem:v53+s20+$0x0] =	vst.idx.msk $0xffff, v44;
	v44 =	vor.u32 s24, v40  }
0x119: {  	[tilespmem:v54+s20+$0x0] =	vst.idx.msk $0xffff, v43;
	v43 =	vor.u32 v47, v38  }
0x11a: {  	[tilespmem:v55+s20+$0x0] =	vst.idx.msk $0xffff, v42;
	v42 =	vor.u32 v46, v38  }
0x11b: {  	[tilespmem:v39+s20+$0x0] =	vst.idx.msk $0xffff, v45;
	v39 =	vor.u32 v41, v38  }
0x11c: {  	v45 =	vor.u32 v56, v38;
	[tilespmem:v48+s20+$0x0] =	vst.idx.msk $0xffff, v50  }
0x11d: {  	[tilespmem:v44+s20+$0x0] =	vst.idx.msk $0xffff, v49;
	v44 =	vor.u32 v57, v38  }
0x11e: {  	v48 =	vor.u32 v58, v38;
	v43 =	vld.idx.msk [tilespmem:v43+s17+$0x0], $0xffff  }
0x11f: {  	v49 =	vor.u32 v59, v38;
	v42 =	vld.idx.msk [tilespmem:v42+s17+$0x0], $0xffff  }
0x120: {  	v50 =	vor.u32 v60, v38;
	v39 =	vld.idx.msk [tilespmem:v39+s17+$0x0], $0xffff  }
0x121: {  	v51 =	vor.u32 s3, v9;
	v45 =	vld.idx.msk [tilespmem:v45+s17+$0x0], $0xffff  }
0x122: {  	v52 =	vor.u32 s3, v10;
	v44 =	vld.idx.msk [tilespmem:v44+s17+$0x0], $0xffff  }
0x123: {  	v53 =	vor.u32 s3, v11;
	v48 =	vld.idx.msk [tilespmem:v48+s17+$0x0], $0xffff  }
0x124: {  	v54 =	vor.u32 s3, v12;
	v49 =	vld.idx.msk [tilespmem:v49+s17+$0x0], $0xffff  }
0x125: {  	v55 =	vor.u32 s3, v13;
	v50 =	vld.idx.msk [tilespmem:v50+s17+$0x0], $0xffff  }
0x126: {  	[tilespmem:v51+s20+$0x0] =	vst.idx.msk $0xffff, v39;
	v39 =	vor.u32 s3, v14  }
0x127: {  	[tilespmem:v52+s20+$0x0] =	vst.idx.msk $0xffff, v42;
	v42 =	vor.u32 s3, v15  }
0x128: {  	[tilespmem:v53+s20+$0x0] =	vst.idx.msk $0xffff, v43;
	v43 =	vor.u32 s3, v16  }
0x129: {  	[tilespmem:v54+s20+$0x0] =	vst.idx.msk $0xffff, v45;
	v45 =	vor.u32 v61, v38  }
0x12a: {  	v51 =	vor.u32 v62, v38;
	[tilespmem:v55+s20+$0x0] =	vst.idx.msk $0xffff, v44;
	v44 =	vor.u32 v63, v38  }
0x12b: {  	[tilespmem:v39+s20+$0x0] =	vst.idx.msk $0xffff, v48  }
0x12c: {  	[tilespmem:v42+s20+$0x0] =	vst.idx.msk $0xffff, v50;
	v42 =	vor.u32 v32, v38  }
0x12d: {  	[tilespmem:v43+s20+$0x0] =	vst.idx.msk $0xffff, v49;
	v43 =	vor.u32 v33, v38  }
0x12e: {  	v39 =	vld.idx.msk [tilespmem:v45+s17+$0x0], $0xffff;
	v45 =	vor.u32 v34, v38  }
0x12f: {  	v50 =	vor.u32 v35, v38;
	v48 =	vld.idx.msk [tilespmem:v51+s17+$0x0], $0xffff  }
.Ltmp0:
0x130: {  	v53 =	vor.u32 s3, v25;
	v54 =	vor.u32 v36, v38;
	v49 =	vld.idx.msk [tilespmem:v44+s17+$0x0], $0xffff;
	(pc) =	sbr.rel @p1 .LBB2_4-.Ltmp0, $4  }
0x131: {  	v38 =	vor.u32 s3, v26;
	v44 =	vld.idx.msk [tilespmem:v42+s17+$0x0], $0xffff  }
0x132: {  	v52 =	vor.u32 s3, v27;
	v42 =	vld.idx.msk [tilespmem:v43+s17+$0x0], $0xffff  }
0x133: {  	v51 =	vor.u32 s3, v28;
	v45 =	vld.idx.msk [tilespmem:v45+s17+$0x0], $0xffff  }
0x134: {  	v43 =	vld.idx.msk [tilespmem:v50+s17+$0x0], $0xffff;
	v50 =	vor.u32 s3, v29  }
0x135: {  	_ =	sdelay $0x2  }
0x136: {  	s23 =	sadd.s32 s22, s6  }
0x137: {  	v54 =	vld.idx.msk [tilespmem:v54+s17+$0x0], $0xffff;
	[tilespmem:v53+s20+$0x0] =	vst.idx.msk $0xffff, v49;
	v55 =	vmov s23  }
0x138: {  	v49 =	vor.u32 s3, v31;
	[tilespmem:v38+s20+$0x0] =	vst.idx.msk $0xffff, v48;
	v53 =	vshll.u32 v55, $0x5  }
0x139: {  	v38 =	vor.u32 s3, v40;
	[tilespmem:v52+s20+$0x0] =	vst.idx.msk $0xffff, v39;
	v48 =	vor.u32 v1, v53  }
0x13a: {  	[tilespmem:v51+s20+$0x0] =	vst.idx.msk $0xffff, v44;
	v39 =	vor.u32 v2, v48  }
0x13b: {  	v51 =	vor.u32 v4, v48;
	[tilespmem:v50+s20+$0x0] =	vst.idx.msk $0xffff, v42  }
0x13c: {  	v55 =	vor.u32 v0, v48;
	[tilespmem:v37+s20+$0x0] =	vst.idx.msk $0xffff, v45  }
0x13d: {  	v52 =	vor.u32 v3, v48;
	[tilespmem:v49+s20+$0x0] =	vst.idx.msk $0xffff, v54  }
0x13e: {  	v53 =	vor.u32 v5, v48;
	[tilespmem:v38+s20+$0x0] =	vst.idx.msk $0xffff, v43  }
0x13f: {  	v54 =	vor.u32 v6, v48;
	v38 =	vld.idx.msk [tilespmem:v39+s17+$0x0], $0xffff  }
0x140: {  	s28 =	sadd.s32 s22, s15;
	v49 =	vor.u32 v8, v48;
	v44 =	vld.idx.msk [tilespmem:v51+s17+$0x0], $0xffff  }
0x141: {  	v50 =	vor.u32 s28, v9;
	v43 =	vor.u32 v7, v48;
	v42 =	vld.idx.msk [tilespmem:v55+s17+$0x0], $0xffff  }
0x142: {  	v37 =	vld.idx.msk [tilespmem:v52+s17+$0x0], $0xffff;
	v51 =	vor.u32 s28, v10  }
0x143: {  	v45 =	vld.idx.msk [tilespmem:v53+s17+$0x0], $0xffff;
	v52 =	vor.u32 s28, v11  }
0x144: {  	v53 =	vor.u32 s28, v12;
	v39 =	vld.idx.msk [tilespmem:v54+s17+$0x0], $0xffff  }
0x145: {  	v49 =	vld.idx.msk [tilespmem:v49+s17+$0x0], $0xffff;
	v54 =	vor.u32 s28, v13  }
0x146: {  	v43 =	vld.idx.msk [tilespmem:v43+s17+$0x0], $0xffff;
	[tilespmem:v50+s20+$0x0] =	vst.idx.msk $0xffff, v42;
	v42 =	vor.u32 s28, v14  }
0x147: {  	[tilespmem:v51+s20+$0x0] =	vst.idx.msk $0xffff, v38;
	v38 =	vor.u32 s28, v15  }
0x148: {  	[tilespmem:v52+s20+$0x0] =	vst.idx.msk $0xffff, v37;
	v37 =	vor.u32 s28, v16  }
0x149: {  	v55 =	vor.u32 v19, v48;
	[tilespmem:v53+s20+$0x0] =	vst.idx.msk $0xffff, v44  }
0x14a: {  	v50 =	vor.u32 v18, v48;
	[tilespmem:v54+s20+$0x0] =	vst.idx.msk $0xffff, v45  }
0x14b: {  	v51 =	vor.u32 v17, v48;
	[tilespmem:v42+s20+$0x0] =	vst.idx.msk $0xffff, v39  }
0x14c: {  	v52 =	vor.u32 v20, v48;
	[tilespmem:v38+s20+$0x0] =	vst.idx.msk $0xffff, v43  }
0x14d: {  	v53 =	vor.u32 v21, v48;
	[tilespmem:v37+s20+$0x0] =	vst.idx.msk $0xffff, v49  }
0x14e: {  	v54 =	vor.u32 v22, v48;
	v42 =	vld.idx.msk [tilespmem:v55+s17+$0x0], $0xffff  }
0x14f: {  	v45 =	vor.u32 v24, v48;
	v44 =	vld.idx.msk [tilespmem:v50+s17+$0x0], $0xffff  }
0x150: {  	v49 =	vor.u32 v23, v48;
	v39 =	vld.idx.msk [tilespmem:v51+s17+$0x0], $0xffff;
	v50 =	vor.u32 s28, v25  }
0x151: {  	v38 =	vld.idx.msk [tilespmem:v52+s17+$0x0], $0xffff;
	v51 =	vor.u32 s28, v26  }
0x152: {  	v37 =	vld.idx.msk [tilespmem:v53+s17+$0x0], $0xffff;
	v52 =	vor.u32 s28, v27  }
0x153: {  	v53 =	vor.u32 s28, v28;
	v43 =	vld.idx.msk [tilespmem:v54+s17+$0x0], $0xffff  }
0x154: {  	v45 =	vld.idx.msk [tilespmem:v45+s17+$0x0], $0xffff;
	v54 =	vor.u32 s28, v29  }
0x155: {  	v49 =	vld.idx.msk [tilespmem:v49+s17+$0x0], $0xffff;
	[tilespmem:v50+s20+$0x0] =	vst.idx.msk $0xffff, v39;
	v39 =	vor.u32 s28, v30  }
0x156: {  	[tilespmem:v51+s20+$0x0] =	vst.idx.msk $0xffff, v44;
	v44 =	vor.u32 s28, v31  }
0x157: {  	[tilespmem:v52+s20+$0x0] =	vst.idx.msk $0xffff, v42;
	v42 =	vor.u32 s28, v40  }
0x158: {  	v55 =	vor.u32 v47, v48;
	[tilespmem:v53+s20+$0x0] =	vst.idx.msk $0xffff, v38  }
0x159: {  	v50 =	vor.u32 v46, v48;
	[tilespmem:v54+s20+$0x0] =	vst.idx.msk $0xffff, v37  }
0x15a: {  	v51 =	vor.u32 v41, v48;
	[tilespmem:v39+s20+$0x0] =	vst.idx.msk $0xffff, v43  }
0x15b: {  	v52 =	vor.u32 v56, v48;
	[tilespmem:v44+s20+$0x0] =	vst.idx.msk $0xffff, v49  }
0x15c: {  	v53 =	vor.u32 v57, v48;
	[tilespmem:v42+s20+$0x0] =	vst.idx.msk $0xffff, v45  }
0x15d: {  	v54 =	vor.u32 v58, v48;
	v38 =	vld.idx.msk [tilespmem:v55+s17+$0x0], $0xffff  }
0x15e: {  	s3 =	sadd.s32 $0x2000, s28;
	v49 =	vor.u32 v60, v48;
	v37 =	vld.idx.msk [tilespmem:v50+s17+$0x0], $0xffff  }
0x15f: {  	v45 =	vor.u32 v59, v48;
	v39 =	vld.idx.msk [tilespmem:v51+s17+$0x0], $0xffff;
	v50 =	vor.u32 s3, v9  }
0x160: {  	v43 =	vld.idx.msk [tilespmem:v52+s17+$0x0], $0xffff;
	v51 =	vor.u32 s3, v10  }
0x161: {  	v42 =	vld.idx.msk [tilespmem:v53+s17+$0x0], $0xffff;
	v52 =	vor.u32 s3, v11  }
0x162: {  	v53 =	vor.u32 s3, v12;
	v44 =	vld.idx.msk [tilespmem:v54+s17+$0x0], $0xffff  }
0x163: {  	v54 =	vor.u32 s3, v13;
	v49 =	vld.idx.msk [tilespmem:v49+s17+$0x0], $0xffff  }
0x164: {  	v45 =	vld.idx.msk [tilespmem:v45+s17+$0x0], $0xffff;
	[tilespmem:v50+s20+$0x0] =	vst.idx.msk $0xffff, v39;
	v39 =	vor.u32 s3, v14  }
0x165: {  	[tilespmem:v51+s20+$0x0] =	vst.idx.msk $0xffff, v37;
	v37 =	vor.u32 s3, v15  }
0x166: {  	[tilespmem:v52+s20+$0x0] =	vst.idx.msk $0xffff, v38;
	v38 =	vor.u32 s3, v16  }
0x167: {  	v55 =	vor.u32 v61, v48;
	[tilespmem:v53+s20+$0x0] =	vst.idx.msk $0xffff, v43  }
0x168: {  	v52 =	vor.u32 v63, v48;
	[tilespmem:v54+s20+$0x0] =	vst.idx.msk $0xffff, v42  }
0x169: {  	v53 =	vor.u32 v32, v48;
	[tilespmem:v39+s20+$0x0] =	vst.idx.msk $0xffff, v44  }
0x16a: {  	v42 =	vor.u32 v62, v48;
	[tilespmem:v37+s20+$0x0] =	vst.idx.msk $0xffff, v49  }
0x16b: {  	v54 =	vor.u32 v33, v48;
	[tilespmem:v38+s20+$0x0] =	vst.idx.msk $0xffff, v45  }
0x16c: {  	v44 =	vor.u32 v35, v48;
	v39 =	vld.idx.msk [tilespmem:v55+s17+$0x0], $0xffff  }
0x16d: {  	v55 =	vor.u32 v34, v48;
	v45 =	vld.idx.msk [tilespmem:v52+s17+$0x0], $0xffff  }
0x16e: {  	v49 =	vor.u32 s3, v25;
	v48 =	vor.u32 v36, v48;
	v37 =	vld.idx.msk [tilespmem:v53+s17+$0x0], $0xffff  }
0x16f: {  	v50 =	vor.u32 s3, v26;
	v42 =	vld.idx.msk [tilespmem:v42+s17+$0x0], $0xffff  }
0x170: {  	v51 =	vor.u32 s3, v27;
	v38 =	vld.idx.msk [tilespmem:v54+s17+$0x0], $0xffff  }
0x171: {  	v52 =	vor.u32 s3, v28;
	v44 =	vld.idx.msk [tilespmem:v44+s17+$0x0], $0xffff  }
0x172: {  	v53 =	vor.u32 s3, v29;
	v43 =	vld.idx.msk [tilespmem:v55+s17+$0x0], $0xffff  }
0x173: {  	v54 =	vor.u32 s3, v30;
	v48 =	vld.idx.msk [tilespmem:v48+s17+$0x0], $0xffff;
	[tilespmem:v49+s20+$0x0] =	vst.idx.msk $0xffff, v45  }
0x174: {  	s31 =	sadd.s32 $0x1, s31;
	v49 =	vor.u32 s3, v31;
	[tilespmem:v50+s20+$0x0] =	vst.idx.msk $0xffff, v42  }
0x175: {  	p1 =	sne.s32 s31, $0x4;
	v55 =	vor.u32 s3, v40;
	[tilespmem:v51+s20+$0x0] =	vst.idx.msk $0xffff, v39  }
.Ltmp1:
0x176: {  	[tilespmem:v52+s20+$0x0] =	vst.idx.msk $0xffff, v37;
	(pc) =	sbr.rel @p1 .LBB2_3-.Ltmp1, $4  }
0x177: {  	[tilespmem:v53+s20+$0x0] =	vst.idx.msk $0xffff, v38  }
0x178: {  	[tilespmem:v54+s20+$0x0] =	vst.idx.msk $0xffff, v43  }
0x179: {  	[tilespmem:v49+s20+$0x0] =	vst.idx.msk $0xffff, v48  }
0x17a: {  	s15 =	sadd.s32 $0x400, s15;
	s6 =	sadd.s32 $0x80, s6;
	[tilespmem:v55+s20+$0x0] =	vst.idx.msk $0xffff, v44  }
0x17b: {  	s3 =	sshll.u32 s8, $0x11  }
0x17c: {  	s6 =	sor.u32 s7, s3  }
0x17d: {  	s3 =	sadd.s32 s1, s6  }
0x17e: {  	[hbm4b:s3+s2] =	stream.linear.scatter [tilespmem:s20], [sflag:$0x3], $0x1000, $0x38;
	[tilespmem:$0x10400] =	vst v63  }
0x17f: {  	s15 =	simm.s32 $0x9400;
	s28 =	sadd.s32 s6, s11  }
0x180: {  	[hbm4b:s28+s2] =	stream.linear.scatter [tilespmem:s15], [sflag:$0x3], $0x1000, $0x38;
	[tilespmem:$0x10400] =	vst v63  }
0x181: {  	s23 =	simm.s32 $0xA400;
	s22 =	sadd.s32 s6, s12  }
0x182: {  	[hbm4b:s22+s2] =	stream.linear.scatter [tilespmem:s23], [sflag:$0x3], $0x1000, $0x38;
	[tilespmem:$0x10400] =	vst v63  }
0x183: {  	s24 =	sadd.s32 s6, s13;
	s28 =	simm.s32 $0xB400  }
0x184: {  	[hbm4b:s24+s2] =	stream.linear.scatter [tilespmem:s28], [sflag:$0x3], $0x1000, $0x38;
	[tilespmem:$0x10400] =	vst v63  }
0x185: {  	s3 =	sadd.s32 @!p0 s10, s14;
	_ =	swait.ge [sflag:s25], $0x4000  }
0x186: {  	s14 =	simm.s32 @!p0 $0x0;
	s3 =	sshrl.u32 @!p0 s3, $0x3;
	[sflag:s25] =	ssyncset.done $0x0  }
0x187: {  	s3 =	sadd.s32 @!p0 s4, s3;
	s15 =	simm.s32 @!p0 $0x200;
	[sflag:s25] =	ssyncadd.s32 $0xFFFFC000  }
0x188: {  	[tilespmem:s15], [sflag:$0x6] =	stream.linear.gather @!p0 [hbm4b:s3+s14], $0x200, $0x38;
	[tilespmem:$0x10400] =	vst v63  }
0x189: {  	s3 =	simm.s32 @!p0 $0x5  }
0x18a: {  	_ =	swait.ge @!p0 [sflag:s3], $0x200  }
0x18b: {  	[sflag:s3] =	ssyncset.done @!p0 $0x0  }
0x18c: {  	p1 =	seq.s32 @!p0 s8, $0x0;
	[sflag:s3] =	ssyncadd.s32 @!p0 $0xFFFFFE00;
	s3 =	simm.s32 @!p0 $0x400  }
0x18d: {  	[tilespmem:s3], [sflag:$0x1] =	stream.indirect.gather @!p0 [hbm4b:s5+s15], $0x20, s14, s15, $0xb8;
	[tilespmem:$0x10400] =	vst v63  }
0x18e: {  	p0 =	por p0, !p1  }
0x18f: {  	_ =	swait.ge @p0 [sflag:s0], $0x1000  }
0x190: {  	[sflag:s0] =	ssyncset.done @p0 $0x0  }
0x191: {  	[sflag:s0] =	ssyncadd.s32 @p0 $0xFFFFF000  }
0x192: {  	_ =	swait.ge @p0 [sflag:s0], $0x1000  }
0x193: {  	[sflag:s0] =	ssyncset.done @p0 $0x0  }
0x194: {  	[sflag:s0] =	ssyncadd.s32 @p0 $0xFFFFF000  }
0x195: {  	_ =	swait.ge @p0 [sflag:s0], $0x1000  }
0x196: {  	[sflag:s0] =	ssyncset.done @p0 $0x0  }
0x197: {  	[sflag:s0] =	ssyncadd.s32 @p0 $0xFFFFF000  }
0x198: {  	_ =	swait.ge @p0 [sflag:s0], $0x1000  }
0x199: {  	s31 =	simm.s32 $0x0;
	[sflag:s0] =	ssyncset.done @p0 $0x0  }
0x19a: {  	s14 =	simm.s32 $0x0;
	s15 =	simm.s32 $0x0;
	[sflag:s0] =	ssyncadd.s32 @p0 $0xFFFFF000  }
.LBB2_7:
0x19b: {  	s3 =	sadd.s32 $0x0, s14  }
0x19c: {  	v37 =	vmov s3  }
0x19d: {  	v37 =	vshll.u32 v37, $0x5  }
0x19e: {  	v38 =	vor.u32 v1, v37  }
0x19f: {  	v37 =	vor.u32 v2, v38  }
0x1a0: {  	v39 =	vor.u32 v4, v38  }
0x1a1: {  	v42 =	vor.u32 v0, v38  }
0x1a2: {  	v43 =	vor.u32 v3, v38  }
0x1a3: {  	v44 =	vor.u32 v5, v38  }
0x1a4: {  	v45 =	vor.u32 v6, v38;
	v37 =	vld.idx.msk [tilespmem:v37+s19+$0x0], $0xffff  }
0x1a5: {  	s28 =	sadd.s32 $0x0, s15;
	v48 =	vor.u32 v7, v38;
	v39 =	vld.idx.msk [tilespmem:v39+s19+$0x0], $0xffff  }
0x1a6: {  	v50 =	vor.u32 s28, v9;
	v49 =	vor.u32 v8, v38;
	v42 =	vld.idx.msk [tilespmem:v42+s19+$0x0], $0xffff  }
0x1a7: {  	v51 =	vor.u32 s28, v10;
	v43 =	vld.idx.msk [tilespmem:v43+s19+$0x0], $0xffff  }
0x1a8: {  	v52 =	vor.u32 s28, v11;
	v44 =	vld.idx.msk [tilespmem:v44+s19+$0x0], $0xffff  }
0x1a9: {  	v53 =	vor.u32 s28, v12;
	v45 =	vld.idx.msk [tilespmem:v45+s19+$0x0], $0xffff  }
0x1aa: {  	v54 =	vor.u32 s28, v13;
	v48 =	vld.idx.msk [tilespmem:v48+s19+$0x0], $0xffff  }
0x1ab: {  	v55 =	vor.u32 s28, v14;
	v49 =	vld.idx.msk [tilespmem:v49+s19+$0x0], $0xffff;
	[tilespmem:v50+s26+$0x0] =	vst.idx.msk $0xffff, v42  }
0x1ac: {  	[tilespmem:v51+s26+$0x0] =	vst.idx.msk $0xffff, v37;
	v37 =	vor.u32 s28, v15  }
0x1ad: {  	[tilespmem:v52+s26+$0x0] =	vst.idx.msk $0xffff, v43;
	v43 =	vor.u32 s28, v16  }
0x1ae: {  	v50 =	vor.u32 v19, v38;
	[tilespmem:v53+s26+$0x0] =	vst.idx.msk $0xffff, v39  }
0x1af: {  	v51 =	vor.u32 v18, v38;
	[tilespmem:v54+s26+$0x0] =	vst.idx.msk $0xffff, v44  }
0x1b0: {  	[tilespmem:v55+s26+$0x0] =	vst.idx.msk $0xffff, v45;
	v55 =	vor.u32 v17, v38  }
0x1b1: {  	v52 =	vor.u32 v20, v38;
	[tilespmem:v37+s26+$0x0] =	vst.idx.msk $0xffff, v48  }
0x1b2: {  	v53 =	vor.u32 v21, v38;
	[tilespmem:v43+s26+$0x0] =	vst.idx.msk $0xffff, v49  }
0x1b3: {  	v54 =	vor.u32 v22, v38;
	v39 =	vld.idx.msk [tilespmem:v50+s19+$0x0], $0xffff  }
0x1b4: {  	v48 =	vor.u32 v24, v38;
	v44 =	vld.idx.msk [tilespmem:v51+s19+$0x0], $0xffff  }
0x1b5: {  	v49 =	vor.u32 v23, v38;
	v50 =	vor.u32 s28, v25;
	v42 =	vld.idx.msk [tilespmem:v55+s19+$0x0], $0xffff  }
0x1b6: {  	v37 =	vld.idx.msk [tilespmem:v52+s19+$0x0], $0xffff;
	v51 =	vor.u32 s28, v26  }
0x1b7: {  	v43 =	vld.idx.msk [tilespmem:v53+s19+$0x0], $0xffff;
	v52 =	vor.u32 s28, v27  }
0x1b8: {  	v53 =	vor.u32 s28, v28;
	v45 =	vld.idx.msk [tilespmem:v54+s19+$0x0], $0xffff  }
0x1b9: {  	v54 =	vor.u32 s28, v29;
	v48 =	vld.idx.msk [tilespmem:v48+s19+$0x0], $0xffff  }
0x1ba: {  	v55 =	vor.u32 s28, v30;
	v49 =	vld.idx.msk [tilespmem:v49+s19+$0x0], $0xffff;
	[tilespmem:v50+s26+$0x0] =	vst.idx.msk $0xffff, v42  }
0x1bb: {  	[tilespmem:v51+s26+$0x0] =	vst.idx.msk $0xffff, v44;
	v44 =	vor.u32 s28, v31  }
0x1bc: {  	[tilespmem:v52+s26+$0x0] =	vst.idx.msk $0xffff, v39;
	v39 =	vor.u32 s28, v40  }
0x1bd: {  	v50 =	vor.u32 v47, v38;
	[tilespmem:v53+s26+$0x0] =	vst.idx.msk $0xffff, v37  }
0x1be: {  	v51 =	vor.u32 v46, v38;
	[tilespmem:v54+s26+$0x0] =	vst.idx.msk $0xffff, v43  }
0x1bf: {  	[tilespmem:v55+s26+$0x0] =	vst.idx.msk $0xffff, v45;
	v55 =	vor.u32 v41, v38  }
0x1c0: {  	v52 =	vor.u32 v56, v38;
	[tilespmem:v44+s26+$0x0] =	vst.idx.msk $0xffff, v49  }
0x1c1: {  	v53 =	vor.u32 v57, v38;
	[tilespmem:v39+s26+$0x0] =	vst.idx.msk $0xffff, v48  }
0x1c2: {  	v54 =	vor.u32 v58, v38;
	v37 =	vld.idx.msk [tilespmem:v50+s19+$0x0], $0xffff  }
0x1c3: {  	s22 =	sadd.s32 $0x2000, s28;
	v49 =	vor.u32 v60, v38;
	v43 =	vld.idx.msk [tilespmem:v51+s19+$0x0], $0xffff  }
0x1c4: {  	v48 =	vor.u32 v59, v38;
	v50 =	vor.u32 s22, v9;
	v42 =	vld.idx.msk [tilespmem:v55+s19+$0x0], $0xffff  }
0x1c5: {  	v44 =	vld.idx.msk [tilespmem:v52+s19+$0x0], $0xffff;
	v51 =	vor.u32 s22, v10  }
0x1c6: {  	v39 =	vld.idx.msk [tilespmem:v53+s19+$0x0], $0xffff;
	v52 =	vor.u32 s22, v11  }
0x1c7: {  	v53 =	vor.u32 s22, v12;
	v45 =	vld.idx.msk [tilespmem:v54+s19+$0x0], $0xffff  }
0x1c8: {  	v54 =	vor.u32 s22, v13;
	v49 =	vld.idx.msk [tilespmem:v49+s19+$0x0], $0xffff  }
0x1c9: {  	v48 =	vld.idx.msk [tilespmem:v48+s19+$0x0], $0xffff;
	[tilespmem:v50+s26+$0x0] =	vst.idx.msk $0xffff, v42;
	v42 =	vor.u32 s22, v14  }
0x1ca: {  	[tilespmem:v51+s26+$0x0] =	vst.idx.msk $0xffff, v43;
	v43 =	vor.u32 s22, v15  }
0x1cb: {  	v55 =	vor.u32 s22, v16;
	[tilespmem:v52+s26+$0x0] =	vst.idx.msk $0xffff, v37  }
0x1cc: {  	[tilespmem:v53+s26+$0x0] =	vst.idx.msk $0xffff, v44;
	v44 =	vor.u32 v61, v38  }
0x1cd: {  	v50 =	vor.u32 v62, v38;
	[tilespmem:v54+s26+$0x0] =	vst.idx.msk $0xffff, v39  }
0x1ce: {  	v51 =	vor.u32 v63, v38;
	[tilespmem:v42+s26+$0x0] =	vst.idx.msk $0xffff, v45  }
0x1cf: {  	v54 =	vor.u32 v32, v38;
	[tilespmem:v43+s26+$0x0] =	vst.idx.msk $0xffff, v49  }
0x1d0: {  	v45 =	vor.u32 v34, v38;
	[tilespmem:v55+s26+$0x0] =	vst.idx.msk $0xffff, v48  }
0x1d1: {  	v55 =	vor.u32 v33, v38;
	v39 =	vld.idx.msk [tilespmem:v44+s19+$0x0], $0xffff  }
0x1d2: {  	v48 =	vld.idx.msk [tilespmem:v50+s19+$0x0], $0xffff;
	v50 =	vor.u32 v35, v38  }
0x1d3: {  	v49 =	vld.idx.msk [tilespmem:v51+s19+$0x0], $0xffff  }
0x1d4: {  	v44 =	vld.idx.msk [tilespmem:v54+s19+$0x0], $0xffff;
	v54 =	vor.u32 v36, v38  }
0x1d5: {  	v53 =	vor.u32 s22, v25;
	v45 =	vld.idx.msk [tilespmem:v45+s19+$0x0], $0xffff  }
0x1d6: {  	v37 =	vor.u32 s22, v30;
	v38 =	vor.u32 s22, v26;
	v42 =	vld.idx.msk [tilespmem:v55+s19+$0x0], $0xffff  }
0x1d7: {  	s23 =	simm.s32 $0x20;
	s3 =	simm.s32 $0x10;
	v52 =	vor.u32 s22, v27;
	v51 =	vor.u32 s22, v28;
	v43 =	vld.idx.msk [tilespmem:v50+s19+$0x0], $0xffff;
	v50 =	vor.u32 s22, v29  }
.LBB2_8:
0x1d8: {  	p0 =	sne.s32 s23, $0x70  }
0x1d9: {  	s24 =	sadd.s32 s3, s14;
	v54 =	vld.idx.msk [tilespmem:v54+s19+$0x0], $0xffff;
	s28 =	smov.u32 s23;
	s23 =	sadd.s32 $0x10, s23  }
0x1da: {  	v55 =	vmov s24;
	[tilespmem:v53+s26+$0x0] =	vst.idx.msk $0xffff, v49;
	v49 =	vor.u32 s22, v31  }
0x1db: {  	v53 =	vshll.u32 v55, $0x5;
	[tilespmem:v38+s26+$0x0] =	vst.idx.msk $0xffff, v48;
	v48 =	vor.u32 s22, v40  }
0x1dc: {  	v38 =	vor.u32 v1, v53;
	[tilespmem:v52+s26+$0x0] =	vst.idx.msk $0xffff, v39  }
0x1dd: {  	v39 =	vor.u32 v0, v38;
	v52 =	vor.u32 v2, v38;
	[tilespmem:v51+s26+$0x0] =	vst.idx.msk $0xffff, v44  }
0x1de: {  	v44 =	vor.u32 v4, v38;
	v51 =	vor.u32 v5, v38;
	[tilespmem:v50+s26+$0x0] =	vst.idx.msk $0xffff, v42  }
0x1df: {  	v42 =	vor.u32 v3, v38;
	v50 =	vor.u32 v7, v38;
	[tilespmem:v37+s26+$0x0] =	vst.idx.msk $0xffff, v45  }
0x1e0: {  	v45 =	vor.u32 v8, v38;
	[tilespmem:v49+s26+$0x0] =	vst.idx.msk $0xffff, v54  }
0x1e1: {  	[tilespmem:v48+s26+$0x0] =	vst.idx.msk $0xffff, v43  }
0x1e2: {  	v48 =	vor.u32 v6, v38;
	v43 =	vld.idx.msk [tilespmem:v52+s19+$0x0], $0xffff  }
0x1e3: {  	v44 =	vld.idx.msk [tilespmem:v44+s19+$0x0], $0xffff  }
0x1e4: {  	s24 =	sadd.s32 s3, s15;
	s3 =	smov.u32 s28;
	v39 =	vld.idx.msk [tilespmem:v39+s19+$0x0], $0xffff  }
0x1e5: {  	s22 =	sadd.s32 $0x2000, s24;
	v49 =	vor.u32 s24, v9;
	v42 =	vld.idx.msk [tilespmem:v42+s19+$0x0], $0xffff  }
0x1e6: {  	v37 =	vor.u32 s22, v30;
	v52 =	vor.u32 s24, v10;
	v51 =	vld.idx.msk [tilespmem:v51+s19+$0x0], $0xffff  }
0x1e7: {  	v53 =	vor.u32 s24, v11;
	v48 =	vld.idx.msk [tilespmem:v48+s19+$0x0], $0xffff  }
0x1e8: {  	v54 =	vor.u32 s24, v12;
	v50 =	vld.idx.msk [tilespmem:v50+s19+$0x0], $0xffff  }
0x1e9: {  	v55 =	vor.u32 s24, v13;
	v45 =	vld.idx.msk [tilespmem:v45+s19+$0x0], $0xffff  }
0x1ea: {  	[tilespmem:v49+s26+$0x0] =	vst.idx.msk $0xffff, v39;
	v39 =	vor.u32 s24, v14  }
0x1eb: {  	[tilespmem:v52+s26+$0x0] =	vst.idx.msk $0xffff, v43;
	v43 =	vor.u32 s24, v15  }
0x1ec: {  	[tilespmem:v53+s26+$0x0] =	vst.idx.msk $0xffff, v42;
	v42 =	vor.u32 s24, v16  }
0x1ed: {  	[tilespmem:v54+s26+$0x0] =	vst.idx.msk $0xffff, v44;
	v44 =	vor.u32 v19, v38  }
0x1ee: {  	v49 =	vor.u32 v18, v38;
	[tilespmem:v55+s26+$0x0] =	vst.idx.msk $0xffff, v51  }
0x1ef: {  	[tilespmem:v39+s26+$0x0] =	vst.idx.msk $0xffff, v48;
	v39 =	vor.u32 v17, v38  }
0x1f0: {  	[tilespmem:v43+s26+$0x0] =	vst.idx.msk $0xffff, v50;
	v43 =	vor.u32 v20, v38  }
0x1f1: {  	[tilespmem:v42+s26+$0x0] =	vst.idx.msk $0xffff, v45;
	v42 =	vor.u32 v21, v38  }
0x1f2: {  	v45 =	vor.u32 v22, v38;
	v44 =	vld.idx.msk [tilespmem:v44+s19+$0x0], $0xffff  }
0x1f3: {  	v48 =	vld.idx.msk [tilespmem:v49+s19+$0x0], $0xffff;
	v49 =	vor.u32 v24, v38  }
0x1f4: {  	v50 =	vor.u32 v23, v38;
	v39 =	vld.idx.msk [tilespmem:v39+s19+$0x0], $0xffff  }
0x1f5: {  	v51 =	vor.u32 s24, v25;
	v43 =	vld.idx.msk [tilespmem:v43+s19+$0x0], $0xffff  }
0x1f6: {  	v52 =	vor.u32 s24, v26;
	v42 =	vld.idx.msk [tilespmem:v42+s19+$0x0], $0xffff  }
0x1f7: {  	v53 =	vor.u32 s24, v27;
	v45 =	vld.idx.msk [tilespmem:v45+s19+$0x0], $0xffff  }
0x1f8: {  	v54 =	vor.u32 s24, v28;
	v49 =	vld.idx.msk [tilespmem:v49+s19+$0x0], $0xffff  }
0x1f9: {  	v55 =	vor.u32 s24, v29;
	v50 =	vld.idx.msk [tilespmem:v50+s19+$0x0], $0xffff  }
0x1fa: {  	[tilespmem:v51+s26+$0x0] =	vst.idx.msk $0xffff, v39;
	v39 =	vor.u32 s24, v30  }
0x1fb: {  	[tilespmem:v52+s26+$0x0] =	vst.idx.msk $0xffff, v48;
	v48 =	vor.u32 s24, v31  }
0x1fc: {  	[tilespmem:v53+s26+$0x0] =	vst.idx.msk $0xffff, v44;
	v44 =	vor.u32 s24, v40  }
0x1fd: {  	[tilespmem:v54+s26+$0x0] =	vst.idx.msk $0xffff, v43;
	v43 =	vor.u32 v47, v38  }
0x1fe: {  	[tilespmem:v55+s26+$0x0] =	vst.idx.msk $0xffff, v42;
	v42 =	vor.u32 v46, v38  }
0x1ff: {  	[tilespmem:v39+s26+$0x0] =	vst.idx.msk $0xffff, v45;
	v39 =	vor.u32 v41, v38  }
0x200: {  	v45 =	vor.u32 v56, v38;
	[tilespmem:v48+s26+$0x0] =	vst.idx.msk $0xffff, v50  }
0x201: {  	[tilespmem:v44+s26+$0x0] =	vst.idx.msk $0xffff, v49;
	v44 =	vor.u32 v57, v38  }
0x202: {  	v48 =	vor.u32 v58, v38;
	v43 =	vld.idx.msk [tilespmem:v43+s19+$0x0], $0xffff  }
0x203: {  	v49 =	vor.u32 v59, v38;
	v42 =	vld.idx.msk [tilespmem:v42+s19+$0x0], $0xffff  }
0x204: {  	v50 =	vor.u32 v60, v38;
	v39 =	vld.idx.msk [tilespmem:v39+s19+$0x0], $0xffff  }
0x205: {  	v51 =	vor.u32 s22, v9;
	v45 =	vld.idx.msk [tilespmem:v45+s19+$0x0], $0xffff  }
0x206: {  	v52 =	vor.u32 s22, v10;
	v44 =	vld.idx.msk [tilespmem:v44+s19+$0x0], $0xffff  }
0x207: {  	v53 =	vor.u32 s22, v11;
	v48 =	vld.idx.msk [tilespmem:v48+s19+$0x0], $0xffff  }
0x208: {  	v54 =	vor.u32 s22, v12;
	v49 =	vld.idx.msk [tilespmem:v49+s19+$0x0], $0xffff  }
0x209: {  	v55 =	vor.u32 s22, v13;
	v50 =	vld.idx.msk [tilespmem:v50+s19+$0x0], $0xffff  }
0x20a: {  	[tilespmem:v51+s26+$0x0] =	vst.idx.msk $0xffff, v39;
	v39 =	vor.u32 s22, v14  }
0x20b: {  	[tilespmem:v52+s26+$0x0] =	vst.idx.msk $0xffff, v42;
	v42 =	vor.u32 s22, v15  }
0x20c: {  	[tilespmem:v53+s26+$0x0] =	vst.idx.msk $0xffff, v43;
	v43 =	vor.u32 s22, v16  }
0x20d: {  	[tilespmem:v54+s26+$0x0] =	vst.idx.msk $0xffff, v45;
	v45 =	vor.u32 v61, v38  }
0x20e: {  	v51 =	vor.u32 v62, v38;
	[tilespmem:v55+s26+$0x0] =	vst.idx.msk $0xffff, v44;
	v44 =	vor.u32 v63, v38  }
0x20f: {  	[tilespmem:v39+s26+$0x0] =	vst.idx.msk $0xffff, v48  }
0x210: {  	[tilespmem:v42+s26+$0x0] =	vst.idx.msk $0xffff, v50;
	v42 =	vor.u32 v32, v38  }
0x211: {  	[tilespmem:v43+s26+$0x0] =	vst.idx.msk $0xffff, v49;
	v43 =	vor.u32 v33, v38  }
0x212: {  	v39 =	vld.idx.msk [tilespmem:v45+s19+$0x0], $0xffff;
	v45 =	vor.u32 v34, v38  }
0x213: {  	v50 =	vor.u32 v35, v38;
	v48 =	vld.idx.msk [tilespmem:v51+s19+$0x0], $0xffff  }
.Ltmp2:
0x214: {  	v53 =	vor.u32 s22, v25;
	v54 =	vor.u32 v36, v38;
	v49 =	vld.idx.msk [tilespmem:v44+s19+$0x0], $0xffff;
	(pc) =	sbr.rel @p0 .LBB2_8-.Ltmp2, $4  }
0x215: {  	v38 =	vor.u32 s22, v26;
	v44 =	vld.idx.msk [tilespmem:v42+s19+$0x0], $0xffff  }
0x216: {  	v52 =	vor.u32 s22, v27;
	v42 =	vld.idx.msk [tilespmem:v43+s19+$0x0], $0xffff  }
0x217: {  	v51 =	vor.u32 s22, v28;
	v45 =	vld.idx.msk [tilespmem:v45+s19+$0x0], $0xffff  }
0x218: {  	v43 =	vld.idx.msk [tilespmem:v50+s19+$0x0], $0xffff;
	v50 =	vor.u32 s22, v29  }
0x219: {  	_ =	sdelay $0x2  }
0x21a: {  	s23 =	sadd.s32 s3, s14  }
0x21b: {  	v54 =	vld.idx.msk [tilespmem:v54+s19+$0x0], $0xffff;
	[tilespmem:v53+s26+$0x0] =	vst.idx.msk $0xffff, v49;
	v55 =	vmov s23  }
0x21c: {  	v49 =	vor.u32 s22, v31;
	[tilespmem:v38+s26+$0x0] =	vst.idx.msk $0xffff, v48;
	v53 =	vshll.u32 v55, $0x5  }
0x21d: {  	v38 =	vor.u32 s22, v40;
	[tilespmem:v52+s26+$0x0] =	vst.idx.msk $0xffff, v39;
	v48 =	vor.u32 v1, v53  }
0x21e: {  	[tilespmem:v51+s26+$0x0] =	vst.idx.msk $0xffff, v44;
	v39 =	vor.u32 v2, v48  }
0x21f: {  	v51 =	vor.u32 v4, v48;
	[tilespmem:v50+s26+$0x0] =	vst.idx.msk $0xffff, v42  }
0x220: {  	v55 =	vor.u32 v0, v48;
	[tilespmem:v37+s26+$0x0] =	vst.idx.msk $0xffff, v45  }
0x221: {  	v52 =	vor.u32 v3, v48;
	[tilespmem:v49+s26+$0x0] =	vst.idx.msk $0xffff, v54  }
0x222: {  	v53 =	vor.u32 v5, v48;
	[tilespmem:v38+s26+$0x0] =	vst.idx.msk $0xffff, v43  }
0x223: {  	v54 =	vor.u32 v6, v48;
	v38 =	vld.idx.msk [tilespmem:v39+s19+$0x0], $0xffff  }
0x224: {  	s28 =	sadd.s32 s3, s15;
	v49 =	vor.u32 v8, v48;
	v44 =	vld.idx.msk [tilespmem:v51+s19+$0x0], $0xffff  }
0x225: {  	v50 =	vor.u32 s28, v9;
	v43 =	vor.u32 v7, v48;
	v42 =	vld.idx.msk [tilespmem:v55+s19+$0x0], $0xffff  }
0x226: {  	v37 =	vld.idx.msk [tilespmem:v52+s19+$0x0], $0xffff;
	v51 =	vor.u32 s28, v10  }
0x227: {  	v45 =	vld.idx.msk [tilespmem:v53+s19+$0x0], $0xffff;
	v52 =	vor.u32 s28, v11  }
0x228: {  	v53 =	vor.u32 s28, v12;
	v39 =	vld.idx.msk [tilespmem:v54+s19+$0x0], $0xffff  }
0x229: {  	v49 =	vld.idx.msk [tilespmem:v49+s19+$0x0], $0xffff;
	v54 =	vor.u32 s28, v13  }
0x22a: {  	v43 =	vld.idx.msk [tilespmem:v43+s19+$0x0], $0xffff;
	[tilespmem:v50+s26+$0x0] =	vst.idx.msk $0xffff, v42;
	v42 =	vor.u32 s28, v14  }
0x22b: {  	[tilespmem:v51+s26+$0x0] =	vst.idx.msk $0xffff, v38;
	v38 =	vor.u32 s28, v15  }
0x22c: {  	[tilespmem:v52+s26+$0x0] =	vst.idx.msk $0xffff, v37;
	v37 =	vor.u32 s28, v16  }
0x22d: {  	v55 =	vor.u32 v19, v48;
	[tilespmem:v53+s26+$0x0] =	vst.idx.msk $0xffff, v44  }
0x22e: {  	v50 =	vor.u32 v18, v48;
	[tilespmem:v54+s26+$0x0] =	vst.idx.msk $0xffff, v45  }
0x22f: {  	v51 =	vor.u32 v17, v48;
	[tilespmem:v42+s26+$0x0] =	vst.idx.msk $0xffff, v39  }
0x230: {  	v52 =	vor.u32 v20, v48;
	[tilespmem:v38+s26+$0x0] =	vst.idx.msk $0xffff, v43  }
0x231: {  	v53 =	vor.u32 v21, v48;
	[tilespmem:v37+s26+$0x0] =	vst.idx.msk $0xffff, v49  }
0x232: {  	v54 =	vor.u32 v22, v48;
	v42 =	vld.idx.msk [tilespmem:v55+s19+$0x0], $0xffff  }
0x233: {  	v45 =	vor.u32 v24, v48;
	v44 =	vld.idx.msk [tilespmem:v50+s19+$0x0], $0xffff  }
0x234: {  	v49 =	vor.u32 v23, v48;
	v39 =	vld.idx.msk [tilespmem:v51+s19+$0x0], $0xffff;
	v50 =	vor.u32 s28, v25  }
0x235: {  	v38 =	vld.idx.msk [tilespmem:v52+s19+$0x0], $0xffff;
	v51 =	vor.u32 s28, v26  }
0x236: {  	v37 =	vld.idx.msk [tilespmem:v53+s19+$0x0], $0xffff;
	v52 =	vor.u32 s28, v27  }
0x237: {  	v53 =	vor.u32 s28, v28;
	v43 =	vld.idx.msk [tilespmem:v54+s19+$0x0], $0xffff  }
0x238: {  	v45 =	vld.idx.msk [tilespmem:v45+s19+$0x0], $0xffff;
	v54 =	vor.u32 s28, v29  }
0x239: {  	v49 =	vld.idx.msk [tilespmem:v49+s19+$0x0], $0xffff;
	[tilespmem:v50+s26+$0x0] =	vst.idx.msk $0xffff, v39;
	v39 =	vor.u32 s28, v30  }
0x23a: {  	[tilespmem:v51+s26+$0x0] =	vst.idx.msk $0xffff, v44;
	v44 =	vor.u32 s28, v31  }
0x23b: {  	[tilespmem:v52+s26+$0x0] =	vst.idx.msk $0xffff, v42;
	v42 =	vor.u32 s28, v40  }
0x23c: {  	v55 =	vor.u32 v47, v48;
	[tilespmem:v53+s26+$0x0] =	vst.idx.msk $0xffff, v38  }
0x23d: {  	v50 =	vor.u32 v46, v48;
	[tilespmem:v54+s26+$0x0] =	vst.idx.msk $0xffff, v37  }
0x23e: {  	v51 =	vor.u32 v41, v48;
	[tilespmem:v39+s26+$0x0] =	vst.idx.msk $0xffff, v43  }
0x23f: {  	v52 =	vor.u32 v56, v48;
	[tilespmem:v44+s26+$0x0] =	vst.idx.msk $0xffff, v49  }
0x240: {  	v53 =	vor.u32 v57, v48;
	[tilespmem:v42+s26+$0x0] =	vst.idx.msk $0xffff, v45  }
0x241: {  	v54 =	vor.u32 v58, v48;
	v38 =	vld.idx.msk [tilespmem:v55+s19+$0x0], $0xffff  }
0x242: {  	s3 =	sadd.s32 $0x2000, s28;
	v49 =	vor.u32 v60, v48;
	v37 =	vld.idx.msk [tilespmem:v50+s19+$0x0], $0xffff  }
0x243: {  	v45 =	vor.u32 v59, v48;
	v39 =	vld.idx.msk [tilespmem:v51+s19+$0x0], $0xffff;
	v50 =	vor.u32 s3, v9  }
0x244: {  	v43 =	vld.idx.msk [tilespmem:v52+s19+$0x0], $0xffff;
	v51 =	vor.u32 s3, v10  }
0x245: {  	v42 =	vld.idx.msk [tilespmem:v53+s19+$0x0], $0xffff;
	v52 =	vor.u32 s3, v11  }
0x246: {  	v53 =	vor.u32 s3, v12;
	v44 =	vld.idx.msk [tilespmem:v54+s19+$0x0], $0xffff  }
0x247: {  	v54 =	vor.u32 s3, v13;
	v49 =	vld.idx.msk [tilespmem:v49+s19+$0x0], $0xffff  }
0x248: {  	v45 =	vld.idx.msk [tilespmem:v45+s19+$0x0], $0xffff;
	[tilespmem:v50+s26+$0x0] =	vst.idx.msk $0xffff, v39;
	v39 =	vor.u32 s3, v14  }
0x249: {  	[tilespmem:v51+s26+$0x0] =	vst.idx.msk $0xffff, v37;
	v37 =	vor.u32 s3, v15  }
0x24a: {  	[tilespmem:v52+s26+$0x0] =	vst.idx.msk $0xffff, v38;
	v38 =	vor.u32 s3, v16  }
0x24b: {  	v55 =	vor.u32 v61, v48;
	[tilespmem:v53+s26+$0x0] =	vst.idx.msk $0xffff, v43  }
0x24c: {  	v52 =	vor.u32 v63, v48;
	[tilespmem:v54+s26+$0x0] =	vst.idx.msk $0xffff, v42  }
0x24d: {  	v53 =	vor.u32 v32, v48;
	[tilespmem:v39+s26+$0x0] =	vst.idx.msk $0xffff, v44  }
0x24e: {  	v42 =	vor.u32 v62, v48;
	[tilespmem:v37+s26+$0x0] =	vst.idx.msk $0xffff, v49  }
0x24f: {  	v54 =	vor.u32 v33, v48;
	[tilespmem:v38+s26+$0x0] =	vst.idx.msk $0xffff, v45  }
0x250: {  	v44 =	vor.u32 v35, v48;
	v39 =	vld.idx.msk [tilespmem:v55+s19+$0x0], $0xffff  }
0x251: {  	v55 =	vor.u32 v34, v48;
	v45 =	vld.idx.msk [tilespmem:v52+s19+$0x0], $0xffff  }
0x252: {  	v49 =	vor.u32 s3, v25;
	v48 =	vor.u32 v36, v48;
	v37 =	vld.idx.msk [tilespmem:v53+s19+$0x0], $0xffff  }
0x253: {  	v50 =	vor.u32 s3, v26;
	v42 =	vld.idx.msk [tilespmem:v42+s19+$0x0], $0xffff  }
0x254: {  	v51 =	vor.u32 s3, v27;
	v38 =	vld.idx.msk [tilespmem:v54+s19+$0x0], $0xffff  }
0x255: {  	v52 =	vor.u32 s3, v28;
	v44 =	vld.idx.msk [tilespmem:v44+s19+$0x0], $0xffff  }
0x256: {  	v53 =	vor.u32 s3, v29;
	v43 =	vld.idx.msk [tilespmem:v55+s19+$0x0], $0xffff  }
0x257: {  	v54 =	vor.u32 s3, v30;
	v48 =	vld.idx.msk [tilespmem:v48+s19+$0x0], $0xffff;
	[tilespmem:v49+s26+$0x0] =	vst.idx.msk $0xffff, v45  }
0x258: {  	s31 =	sadd.s32 $0x1, s31;
	v49 =	vor.u32 s3, v31;
	[tilespmem:v50+s26+$0x0] =	vst.idx.msk $0xffff, v42  }
0x259: {  	p0 =	sne.s32 s31, $0x4;
	v55 =	vor.u32 s3, v40;
	[tilespmem:v51+s26+$0x0] =	vst.idx.msk $0xffff, v39  }
.Ltmp3:
0x25a: {  	[tilespmem:v52+s26+$0x0] =	vst.idx.msk $0xffff, v37;
	(pc) =	sbr.rel @p0 .LBB2_7-.Ltmp3, $4  }
0x25b: {  	[tilespmem:v53+s26+$0x0] =	vst.idx.msk $0xffff, v38  }
0x25c: {  	[tilespmem:v54+s26+$0x0] =	vst.idx.msk $0xffff, v43  }
0x25d: {  	[tilespmem:v49+s26+$0x0] =	vst.idx.msk $0xffff, v48  }
0x25e: {  	s15 =	sadd.s32 $0x400, s15;
	s14 =	sadd.s32 $0x80, s14;
	[tilespmem:v55+s26+$0x0] =	vst.idx.msk $0xffff, v44  }
0x25f: {  	s3 =	sor.u32 $0x10000, s6  }
0x260: {  	s8 =	sadd.s32 $0x1, s8;
	s6 =	sadd.s32 s1, s3  }
0x261: {  	[hbm4b:s6+s2] =	stream.linear.scatter [tilespmem:s26], [sflag:$0x4], $0x1000, $0x38;
	[tilespmem:$0x10400] =	vst v63  }
0x262: {  	s14 =	simm.s32 $0xD400;
	s28 =	sadd.s32 s3, s11;
	p0 =	sne.s32 s8, $0x19  }
0x263: {  	[hbm4b:s28+s2] =	stream.linear.scatter [tilespmem:s14], [sflag:$0x4], $0x1000, $0x38;
	[tilespmem:$0x10400] =	vst v63  }
.Ltmp4:
0x264: {  	_ = 	snop;
	(pc) =	sbr.rel @p0 .LBB2_2-.Ltmp4, $4  }
0x265: {  	s31 =	sadd.s32 s3, s12  }
0x266: {  	[hbm4b:s31+s2] =	stream.linear.scatter [tilespmem:s29], [sflag:$0x4], $0x1000, $0x38;
	[tilespmem:$0x10400] =	vst v63  }
0x267: {  	s3 =	sadd.s32 s3, s13  }
0x268: {  	[hbm4b:s3+s2] =	stream.linear.scatter [tilespmem:s30], [sflag:$0x4], $0x1000, $0x38;
	[tilespmem:$0x10400] =	vst v63  }
0x269: {  	s3 =	simm.s32 $0x3  }
0x26a: {  	_ =	swait.ge [sflag:s3], $0x1000  }
0x26b: {  	[sflag:s3] =	ssyncset.done $0x0  }
0x26c: {  	[sflag:s3] =	ssyncadd.s32 $0xFFFFF000  }
0x26d: {  	_ =	swait.ge [sflag:s3], $0x1000  }
0x26e: {  	[sflag:s3] =	ssyncset.done $0x0  }
0x26f: {  	[sflag:s3] =	ssyncadd.s32 $0xFFFFF000  }
0x270: {  	_ =	swait.ge [sflag:s3], $0x1000  }
0x271: {  	[sflag:s3] =	ssyncset.done $0x0  }
0x272: {  	[sflag:s3] =	ssyncadd.s32 $0xFFFFF000  }
0x273: {  	_ =	swait.ge [sflag:s3], $0x1000  }
0x274: {  	[sflag:s3] =	ssyncset.done $0x0  }
0x275: {  	[sflag:s3] =	ssyncadd.s32 $0xFFFFF000  }
0x276: {  	_ =	swait.ge [sflag:s0], $0x1000  }
0x277: {  	[sflag:s0] =	ssyncset.done $0x0  }
0x278: {  	[sflag:s0] =	ssyncadd.s32 $0xFFFFF000  }
0x279: {  	_ =	swait.ge [sflag:s0], $0x1000  }
0x27a: {  	[sflag:s0] =	ssyncset.done $0x0  }
0x27b: {  	[sflag:s0] =	ssyncadd.s32 $0xFFFFF000  }
0x27c: {  	_ =	swait.ge [sflag:s0], $0x1000  }
0x27d: {  	[sflag:s0] =	ssyncset.done $0x0  }
0x27e: {  	[sflag:s0] =	ssyncadd.s32 $0xFFFFF000  }
0x27f: {  	_ =	swait.ge [sflag:s0], $0x1000  }
0x280: {  	s6 =	rddreg [dreg:$0x6]  }
0x281: {  	s31 =	rddreg [dreg:$0x5];
	s6 =	sadd.s32 $0x1, s6  }
0x282: {  	p0 =	sne.s32 s6, s31  }
.Ltmp5:
0x283: {  	_ = 	snop;
	(pc) =	sbr.rel @p0 .LBB2_1-.Ltmp5, $3  }
0x284: {  	_ =	sdelay $0x1  }
0x285: {  	[sflag:s0] =	ssyncset.done $0x0  }
0x286: {  	[sflag:s0] =	ssyncadd.s32 $0xFFFFF000  }
0x287: {  	_ =	sfence.sel $0x180000  }
0x288: {  	[bflag:$0x0] =	sbarrier.arrive $0xFFFF  }
0x289: {  	_ =	strace $0x90000047  }
0x28a: {  	s0 =	stileid.u32;
	[bflag:$0x2] =	sbarrier.arrive $0xFFFF  }
0x28b: {  	p0 =	sne.s32 s0, $0x0;
	s0 =	rddreg [dreg:$0x2]  }
0x28c: {  	s0 =	sadd.s32 @!p0 $0x100000, s0  }
0x28d: {  	[sflag:s0] =	ssyncadd.tile.s32 @!p0 $0x1;
	_ =	shalt  }
.Lfunc_end2:
_tile_overlayer_lowered:
.L_overlay_start_2:
0x28e: {  	(tag) =	ssettag $0x2  }
0x28f: {  	s0 =	rddreg [dreg:$0x0];
	s2 =	stileid.u32  }
0x290: {  	s1 =	rddreg [dreg:$0x1];
	p0 =	sne.s32 s2, $0x0  }
0x291: {  	s3 =	rddreg [dreg:$0x2];
	[bflag:$0x3] =	sbarrier.arrive $0xFFFF;
	s2 =	simm.s32 @!p0 $0x1C07  }
0x292: {  	[timem:s3], [sflag:s2] =	dma.local @!p0 [hbm:s0], s1  }
0x293: {  	s0 =	simm.s32 @!p0 $0x7  }
0x294: {  	_ =	swait.ge @!p0 [sflag:s0], s1  }
0x295: {  	s1 =	ssub.s32 @!p0 $0x0, s1;
	[sflag:s0] =	ssyncset.done @!p0 $0x0  }
0x296: {  	[sflag:s0] =	ssyncadd.s32 @!p0 s1  }
0x297: {  	[bflag:$0x3] =	sbarrier.arrive $0xFFFF  }
0x298: {  	_ =	shalt  }

</sc_bundles>
